<compile_context>
chip_gen: v7x
topology: tpu7x:2x2x1
jax: 0.10.2.dev20260603
libtpu: 0.0.44.dev20260713+nightly
codegen_flags: <defaults>
</compile_context>

<pallas_src>
import functools

import jax
import jax.numpy as jnp
from jax import lax
from jax.experimental import pallas as pl
from jax.experimental.pallas import tpu as pltpu
from jax.experimental.pallas import tpu_sc as plsc

D_MODEL = 768
NUM_EXPERTS = 8
INTERMEDIATE = 768
SWIGLU_LIMIT = 7.0
SWIGLU_ALPHA = 1.702
_EPS = float(jnp.finfo(jnp.float32).eps)
_T = 64
_LANES = 16
_NGROUPS = _T // _LANES


def _norm_gate_body(x_ref, nw_ref, gw_ref, gb_ref, hid_ref, lg_ref):
    xx = x_ref[...].reshape(_T, D_MODEL)
    var = jnp.mean(xx * xx, axis=1, keepdims=True)
    hid = xx * lax.rsqrt(var + _EPS) * nw_ref[...]
    hid_ref[...] = hid
    lg = lax.dot_general(gw_ref[...], hid, (((1,), (1,)), ((), ())),
                         preferred_element_type=jnp.float32)
    lg_ref[...] = lg + gb_ref[...].reshape(NUM_EXPERTS, 1)


def _norm_gate(x, norm_w, gate_w, gate_b):
    return pl.pallas_call(
        _norm_gate_body,
        out_shape=(
            jax.ShapeDtypeStruct((_T, D_MODEL), jnp.float32),
            jax.ShapeDtypeStruct((NUM_EXPERTS, _T), jnp.float32),
        ),
    )(x, norm_w, gate_w, gate_b)


def _route_body(lg_hbm, w_hbm, lg_v, w_v):
    c = lax.axis_index("c")
    s = lax.axis_index("s")
    wid = s * 2 + c

    @pl.when(wid == 0)
    def _():
        pltpu.sync_copy(lg_hbm, lg_v)
        pltpu.sync_copy(lg_v, w_hbm)


def _route_group(g, lg_v, w_v):
    base = pl.multiple_of(g * _LANES, _LANES)
    ls = [lg_v[e, pl.ds(base, _LANES)] for e in range(NUM_EXPERTS)]
    m1 = ls[0]
    for e in range(1, NUM_EXPERTS):
        m1 = jnp.maximum(m1, ls[e])
    big = jnp.full((_LANES,), NUM_EXPERTS, jnp.int32)
    negf = jnp.full((_LANES,), -3.0e38, jnp.float32)
    idx1 = big
    for e in range(NUM_EXPERTS):
        es = jnp.full((_LANES,), e, jnp.int32)
        idx1 = jnp.minimum(idx1, jnp.where(ls[e] == m1, es, big))
    m2 = negf
    for e in range(NUM_EXPERTS):
        es = jnp.full((_LANES,), e, jnp.int32)
        m2 = jnp.maximum(m2, jnp.where(idx1 == es, negf, ls[e]))
    idx2 = big
    for e in range(NUM_EXPERTS):
        es = jnp.full((_LANES,), e, jnp.int32)
        hit = jnp.logical_and(ls[e] == m2, idx1 != es)
        idx2 = jnp.minimum(idx2, jnp.where(hit, es, big))
    ed = jnp.exp(m2 - m1)
    inv = 1.0 / (1.0 + ed)
    p1 = inv
    p2 = ed * inv
    zero = jnp.zeros((_LANES,), jnp.float32)
    for e in range(NUM_EXPERTS):
        es = jnp.full((_LANES,), e, jnp.int32)
        w_e = jnp.where(idx1 == es, p1, jnp.where(idx2 == es, p2, zero))
        w_v[e, pl.ds(base, _LANES)] = w_e


def _routing_sc(logits_t):
    mesh = plsc.VectorSubcoreMesh(core_axis_name="c", subcore_axis_name="s")
    route = functools.partial(
        pl.kernel,
        mesh=mesh,
        out_type=jax.ShapeDtypeStruct((NUM_EXPERTS, _T), jnp.float32),
        scratch_types=[
            pltpu.VMEM((NUM_EXPERTS, _T), jnp.float32),
            pltpu.VMEM((NUM_EXPERTS, _T), jnp.float32),
        ],
    )(_route_body)
    return route(logits_t)


_NBUF = 4


def _experts_body(hid_ref, b1_ref, b2_ref, w1_hbm, w2_hbm,
                  out8_ref, w1_buf, w2_buf, s1a, s1b, s2):
    half = INTERMEDIATE // 2

    def start_dmas(e, slot):
        pltpu.make_async_copy(
            w1_hbm.at[e, pl.ds(0, INTERMEDIATE)],
            w1_buf.at[slot, pl.ds(0, INTERMEDIATE)], s1a.at[slot]).start()
        pltpu.make_async_copy(
            w1_hbm.at[e, pl.ds(INTERMEDIATE, INTERMEDIATE)],
            w1_buf.at[slot, pl.ds(INTERMEDIATE, INTERMEDIATE)],
            s1b.at[slot]).start()
        pltpu.make_async_copy(w2_hbm.at[e], w2_buf.at[slot],
                              s2.at[slot]).start()

    for s in range(_NBUF):
        start_dmas(s, s)

    hid = hid_ref[...]
    hid_b = hid.astype(jnp.bfloat16)
    iota_f = lax.broadcasted_iota(jnp.int32, (2 * half, half), 0)
    iota_i = lax.broadcasted_iota(jnp.int32, (2 * half, half), 1)
    sel_g = (iota_f == 2 * iota_i).astype(jnp.bfloat16)
    even = (lax.broadcasted_iota(jnp.int32, (_T, 2 * half), 1) % 2) == 0

    def body(e, carry):
        slot = lax.rem(e, _NBUF)
        oh_e = (lax.broadcasted_iota(jnp.int32, (1, NUM_EXPERTS), 1) == e)
        oh_e = oh_e.astype(jnp.float32)
        b1row = lax.dot_general(oh_e, b1_ref[...], (((1,), (0,)), ((), ())),
                                preferred_element_type=jnp.float32)
        b2row = lax.dot_general(oh_e, b2_ref[...], (((1,), (0,)), ((), ())),
                                preferred_element_type=jnp.float32)
        acts = []
        for h, sem in enumerate((s1a, s1b)):
            pltpu.make_async_copy(
                w1_hbm.at[e, pl.ds(h * INTERMEDIATE, INTERMEDIATE)],
                w1_buf.at[slot, pl.ds(h * INTERMEDIATE, INTERMEDIATE)],
                sem.at[slot]).wait()
            w1h = w1_buf[slot, pl.ds(h * INTERMEDIATE, INTERMEDIATE)]
            tfull = lax.dot_general(hid_b, w1h.astype(jnp.bfloat16),
                                    (((1,), (1,)), ((), ())),
                                    preferred_element_type=jnp.float32)
            t_all = tfull + b1row[:, h * 2 * half:(h + 1) * 2 * half]
            tmin = jnp.minimum(t_all, SWIGLU_LIMIT)
            glu_part = tmin * jax.nn.sigmoid(SWIGLU_ALPHA * tmin)
            lin_part = jnp.clip(t_all, -SWIGLU_LIMIT, SWIGLU_LIMIT) + 1.0
            act_i = glu_part * pltpu.roll(lin_part, 2 * half - 1, 1)
            act_z = jnp.where(even, act_i, 0.0).astype(jnp.bfloat16)
            acts.append(lax.dot_general(act_z, sel_g, (((1,), (0,)), ((), ())),
                                        preferred_element_type=jnp.float32))
        act = jnp.concatenate(acts, axis=1).astype(jnp.bfloat16)
        pltpu.make_async_copy(w2_hbm.at[e], w2_buf.at[slot],
                              s2.at[slot]).wait()
        t2 = b2row + lax.dot_general(act, w2_buf[slot].astype(jnp.bfloat16),
                                     (((1,), (1,)), ((), ())),
                                     preferred_element_type=jnp.float32)
        out8_ref[e] = t2

        @pl.when(e + _NBUF < NUM_EXPERTS)
        def _():
            start_dmas(e + _NBUF, slot)

        return carry

    lax.fori_loop(0, NUM_EXPERTS, body, 0)


def _experts(hidden, mlp1_w, mlp1_b, mlp2_w, mlp2_b):
    return pl.pallas_call(
        _experts_body,
        in_specs=[
            pl.BlockSpec((_T, D_MODEL), None),
            pl.BlockSpec((NUM_EXPERTS, 2 * INTERMEDIATE), None),
            pl.BlockSpec((NUM_EXPERTS, D_MODEL), None),
            pl.BlockSpec(memory_space=pl.ANY),
            pl.BlockSpec(memory_space=pl.ANY),
        ],
        out_specs=pl.BlockSpec((NUM_EXPERTS, _T, D_MODEL), None),
        out_shape=jax.ShapeDtypeStruct((NUM_EXPERTS, _T, D_MODEL), jnp.float32),
        scratch_shapes=[
            pltpu.VMEM((_NBUF, 2 * INTERMEDIATE, D_MODEL), jnp.float32),
            pltpu.VMEM((_NBUF, D_MODEL, INTERMEDIATE), jnp.float32),
            pltpu.SemaphoreType.DMA((_NBUF,)),
            pltpu.SemaphoreType.DMA((_NBUF,)),
            pltpu.SemaphoreType.DMA((_NBUF,)),
        ],
    )(hidden, mlp1_b, mlp2_b, mlp1_w, mlp2_w)


def _combine_body(x_ref, w_ref, o8_ref, out_ref):
    eye = (lax.broadcasted_iota(jnp.int32, (_T, _T), 0)
           == lax.broadcasted_iota(jnp.int32, (_T, _T), 1)).astype(jnp.float32)
    w_t = lax.dot_general(eye, w_ref[...], (((1,), (1,)), ((), ())),
                          preferred_element_type=jnp.float32)
    acc = x_ref[...].reshape(_T, D_MODEL)
    for e in range(NUM_EXPERTS):
        acc = acc + w_t[:, e:e + 1] * o8_ref[e]
    out_ref[...] = acc.reshape(x_ref.shape)


def _combine(x, w_te, out8):
    return pl.pallas_call(
        _combine_body,
        out_shape=jax.ShapeDtypeStruct(x.shape, jnp.float32),
    )(x, w_te, out8)


@jax.jit
def kernel(x, norm_w, gate_w, gate_b, mlp1_w, mlp1_b, mlp2_w, mlp2_b):
    hidden, logits_t = _norm_gate(x, norm_w, gate_w, gate_b)
    w_et = _routing_sc(logits_t)
    out8 = _experts(hidden, mlp1_w, mlp1_b, mlp2_w, mlp2_b)
    return _combine(x, w_et, out8)

# --- scband reference (transcript-rebuilt; emitter-appended) ---
"""Pipeline reference for scband-mlpmo-e-29171417875051 (READ-ONLY COPY).

The authoritative reference and input builder live on the scoring server;
editing this copy changes nothing except your own understanding.
"""

import jax, jax.numpy as jnp
import numpy as np

D_MODEL = 768
NUM_EXPERTS = 8
TOP_K = 2
INTERMEDIATE = 768
SWIGLU_LIMIT = 7.0
SWIGLU_ALPHA = 1.702
EPS = float(jnp.finfo(jnp.float32).eps)


def setup_inputs(seed: int = 0) -> dict:
    key = jax.random.key(seed)
    ks = jax.random.split(key, 5)
    x = jax.random.normal(ks[0], (16, 4, D_MODEL), dtype=jnp.float32)
    norm_w = jnp.ones((D_MODEL,), dtype=jnp.float32)
    gate_w = jax.random.normal(ks[1], (NUM_EXPERTS, D_MODEL), dtype=jnp.float32) / jnp.sqrt(D_MODEL)
    gate_b = jnp.zeros((NUM_EXPERTS,), dtype=jnp.float32)
    mlp1_w = jax.random.normal(ks[2], (NUM_EXPERTS, 2 * INTERMEDIATE, D_MODEL), dtype=jnp.float32) / jnp.sqrt(D_MODEL)
    mlp1_b = jnp.zeros((NUM_EXPERTS, 2 * INTERMEDIATE), dtype=jnp.float32)
    mlp2_w = jax.random.normal(ks[3], (NUM_EXPERTS, D_MODEL, INTERMEDIATE), dtype=jnp.float32) / jnp.sqrt(INTERMEDIATE)
    mlp2_b = jnp.zeros((NUM_EXPERTS, D_MODEL), dtype=jnp.float32)
    return {"x": x, "norm_w": norm_w, "gate_w": gate_w, "gate_b": gate_b,
            "mlp1_w": mlp1_w, "mlp1_b": mlp1_b, "mlp2_w": mlp2_w, "mlp2_b": mlp2_b}


def _swiglu(t, limit=SWIGLU_LIMIT, alpha=SWIGLU_ALPHA):
    x_glu = t[..., ::2]
    x_lin = t[..., 1::2]
    x_glu = jnp.minimum(x_glu, limit)
    x_lin = jnp.clip(x_lin, -limit, limit)
    return x_glu * jax.nn.sigmoid(alpha * x_glu) * (x_lin + 1.0)


def reference(x, norm_w, gate_w, gate_b, mlp1_w, mlp1_b, mlp2_w, mlp2_b):
    # RMSNorm
    var = jnp.mean(x * x, axis=-1, keepdims=True)
    hidden = x * jax.lax.rsqrt(var + EPS) * norm_w
    orig_shape = hidden.shape
    d_model = orig_shape[-1]
    hidden_flat = hidden.reshape(-1, d_model)  # [T, d]
    # gating
    gate_logits = hidden_flat @ gate_w.T + gate_b  # [T, E]
    expert_vals, expert_idx = jax.lax.top_k(gate_logits, TOP_K)  # [T, k]
    expert_weights = jax.nn.softmax(expert_vals, axis=-1)  # [T, k]
    # gather per-token expert weights (SparseCore-style gather)
    w1 = jnp.take(mlp1_w, expert_idx, axis=0)  # [T, k, 2I, d]
    b1 = jnp.take(mlp1_b, expert_idx, axis=0)  # [T, k, 2I]
    t = jnp.einsum('tkfd,td->tkf', w1, hidden_flat) + b1  # [T, k, 2I]
    t = _swiglu(t)  # [T, k, I]
    w2 = jnp.take(mlp2_w, expert_idx, axis=0)  # [T, k, d, I]
    b2 = jnp.take(mlp2_b, expert_idx, axis=0)  # [T, k, d]
    t = jnp.einsum('tkdf,tkf->tkd', w2, t) + b2  # [T, k, d]
    moe_output = jnp.sum(t * expert_weights[..., None], axis=1)  # [T, d]
    moe_output = moe_output.reshape(orig_shape)
    return x + moe_output

if __name__ == "__main__":
    import jax
    _d = setup_inputs()
    print(jax.jit(kernel)(*tuple(_d.values())))

</pallas_src>

<mosaic_0001>
#map = affine_map<(d0, d1) -> (0, 0)>
module attributes {stable_mosaic.version = 14 : i64} {
  func.func @_route_body(%arg0: i32, %arg1: i32, %arg2: memref<8x64xf32, #tpu.memory_space<hbm>>, %arg3: memref<8x64xf32, #tpu.memory_space<hbm>>, %arg4: memref<8x64xf32, #tpu.memory_space<vmem>>, %arg5: memref<8x64xf32, #tpu.memory_space<vmem>>) attributes {dimension_semantics = [#tpu.dimension_semantics<core_parallel>, #tpu.dimension_semantics<subcore_parallel>], iteration_bounds = array<i64: 2, 16>, scalar_prefetch = 0 : i64, scratch_operands = 2 : i64, tpu.core_type = #tpu.core_type<sc_vector_subcore>, window_params = [{transform_indices = #map}, {transform_indices = #map}]} {
    %mul3A = arith.constant 2 : i32
    %mul3A_0 = arith.muli %arg1, %mul3A : i32
    %add3A = arith.addi %mul3A_0, %arg0 : i32
    %eq3A = arith.constant 0 : i32
    %eq3A_1 = arith.cmpi eq, %add3A, %eq3A : i32
    %convert_element_type3A = arith.extui %eq3A_1 : i1 to i32
    %cond3A = arith.constant 0 : i32
    %cond3A_2 = arith.cmpi ne, %convert_element_type3A, %cond3A : i32
    scf.if %cond3A_2 {
      "tpu.region"() ({
        %run_scoped3A = tpu.sem_alloc : memref<!tpu.dma_semaphore, #tpu.memory_space<semaphore_mem>>
        tpu.enqueue_dma source(%arg2 : memref<8x64xf32, #tpu.memory_space<hbm>>) target(%arg4 : memref<8x64xf32, #tpu.memory_space<vmem>>) target_semaphore(%run_scoped3A : memref<!tpu.dma_semaphore, #tpu.memory_space<semaphore_mem>>)
        tpu.wait_dma2 semaphore(%run_scoped3A : memref<!tpu.dma_semaphore, #tpu.memory_space<semaphore_mem>>) src(%arg2 : memref<8x64xf32, #tpu.memory_space<hbm>>) dst(%arg4 : memref<8x64xf32, #tpu.memory_space<vmem>>)
        tpu.yield
      }) : () -> ()
      "tpu.region"() ({
        %run_scoped3A = tpu.sem_alloc : memref<!tpu.dma_semaphore, #tpu.memory_space<semaphore_mem>>
        tpu.enqueue_dma source(%arg4 : memref<8x64xf32, #tpu.memory_space<vmem>>) target(%arg3 : memref<8x64xf32, #tpu.memory_space<hbm>>) target_semaphore(%run_scoped3A : memref<!tpu.dma_semaphore, #tpu.memory_space<semaphore_mem>>)
        tpu.wait_dma2 semaphore(%run_scoped3A : memref<!tpu.dma_semaphore, #tpu.memory_space<semaphore_mem>>) src(%arg4 : memref<8x64xf32, #tpu.memory_space<vmem>>) dst(%arg3 : memref<8x64xf32, #tpu.memory_space<hbm>>)
        tpu.yield
      }) : () -> ()
    } else {
    }
    return
  }
}

module attributes {stable_mosaic.version = 14 : i64} {
  func.func @_norm_gate_body(%arg0: memref<16x4x768xf32, #tpu.memory_space<vmem>>, %arg1: memref<768xf32, #tpu.memory_space<vmem>>, %arg2: memref<8x768xf32, #tpu.memory_space<vmem>>, %arg3: memref<8xf32, #tpu.memory_space<vmem>>, %arg4: memref<64x768xf32, #tpu.memory_space<vmem>>, %arg5: memref<8x64xf32, #tpu.memory_space<vmem>>) attributes {dimension_semantics = [], scalar_prefetch = 0 : i64, scratch_operands = 0 : i64, tpu.core_type = #tpu.core_type<tc>} {
    %get3A = arith.constant 0 : index
    %get3A_0 = arith.constant 0 : index
    %get3A_1 = arith.constant 0 : index
    %get3A_2 = vector.load %arg0[%get3A, %get3A_0, %get3A_1] : memref<16x4x768xf32, #tpu.memory_space<vmem>>, vector<16x4x768xf32>
    %reshape3A = vector.shape_cast %get3A_2 : vector<16x4x768xf32> to vector<64x768xf32>
    %mul3A = arith.mulf %reshape3A, %reshape3A : vector<64x768xf32>
    %reduce_sum3A = arith.constant dense<0.000000e+00> : vector<64xf32>
    %reduce_sum3A_3 = vector.multi_reduction <add>, %mul3A, %reduce_sum3A [1] : vector<64x768xf32> to vector<64xf32>
    %broadcast_in_dim3A = vector.shape_cast %reduce_sum3A_3 : vector<64xf32> to vector<64x1xf32>
    %div3A = arith.constant 7.680000e+02 : f32
    %div3A_4 = vector.broadcast %div3A : f32 to vector<64x1xf32>
    %div3A_5 = arith.divf %broadcast_in_dim3A, %div3A_4 : vector<64x1xf32>
    %add3A = arith.constant 1.1920929E-7 : f32
    %add3A_6 = vector.broadcast %add3A : f32 to vector<64x1xf32>
    %add3A_7 = arith.addf %div3A_5, %add3A_6 : vector<64x1xf32>
    %rsqrt3A = math.rsqrt %add3A_7 : vector<64x1xf32>
    %mul3A_8 = vector.broadcast %rsqrt3A : vector<64x1xf32> to vector<64x768xf32>
    %mul3A_9 = arith.mulf %reshape3A, %mul3A_8 : vector<64x768xf32>
    %get3A_10 = arith.constant 0 : index
    %get3A_11 = vector.load %arg1[%get3A_10] : memref<768xf32, #tpu.memory_space<vmem>>, vector<768xf32>
    %broadcast_in_dim3A_12 = vector.shape_cast %get3A_11 : vector<768xf32> to vector<1x768xf32>
    %mul3A_13 = vector.broadcast %broadcast_in_dim3A_12 : vector<1x768xf32> to vector<64x768xf32>
    %mul3A_14 = arith.mulf %mul3A_9, %mul3A_13 : vector<64x768xf32>
    %swap3A = arith.constant 0 : index
    %swap3A_15 = arith.constant 0 : index
    %swap3A_16 = vector.load %arg4[%swap3A, %swap3A_15] : memref<64x768xf32, #tpu.memory_space<vmem>>, vector<64x768xf32>
    tpu.vector_store %arg4[%swap3A, %swap3A_15], %mul3A_14 {strides = array<i32>} : memref<64x768xf32, #tpu.memory_space<vmem>>, vector<64x768xf32>,
    %get3A_17 = arith.constant 0 : index
    %get3A_18 = arith.constant 0 : index
    %get3A_19 = vector.load %arg2[%get3A_17, %get3A_18] : memref<8x768xf32, #tpu.memory_space<vmem>>, vector<8x768xf32>
    %dot_general3A = arith.constant dense<0.000000e+00> : vector<8x64xf32>
    %dot_general3A_20 = tpu.matmul %get3A_19, %mul3A_14, %dot_general3A {dimension_numbers = #tpu.dot_dimension_numbers<[1], [1], [0], [0], [0, 0, 1, 0], [], []>, transpose_lhs_hint = false} : vector<8x768xf32>, vector<64x768xf32>, vector<8x64xf32> -> vector<8x64xf32>
    %get3A_21 = arith.constant 0 : index
    %get3A_22 = vector.load %arg3[%get3A_21] : memref<8xf32, #tpu.memory_space<vmem>>, vector<8xf32>
    %reshape3A_23 = vector.shape_cast %get3A_22 : vector<8xf32> to vector<8x1xf32>
    %add3A_24 = vector.broadcast %reshape3A_23 : vector<8x1xf32> to vector<8x64xf32>
    %add3A_25 = arith.addf %dot_general3A_20, %add3A_24 : vector<8x64xf32>
    %swap3A_26 = arith.constant 0 : index
    %swap3A_27 = arith.constant 0 : index
    %swap3A_28 = vector.load %arg5[%swap3A_26, %swap3A_27] : memref<8x64xf32, #tpu.memory_space<vmem>>, vector<8x64xf32>
    tpu.vector_store %arg5[%swap3A_26, %swap3A_27], %add3A_25 {strides = array<i32>} : memref<8x64xf32, #tpu.memory_space<vmem>>, vector<8x64xf32>,
    return
  }
}

module attributes {stable_mosaic.version = 14 : i64} {
  func.func @_experts_body(%arg0: memref<64x768xf32, #tpu.memory_space<vmem>>, %arg1: memref<8x1536xf32, #tpu.memory_space<vmem>>, %arg2: memref<8x768xf32, #tpu.memory_space<vmem>>, %arg3: memref<8x1536x768xf32, #tpu.memory_space<any>>, %arg4: memref<8x768x768xf32, #tpu.memory_space<any>>, %arg5: memref<8x64x768xf32, #tpu.memory_space<vmem>>, %arg6: memref<4x1536x768xf32, #tpu.memory_space<vmem>>, %arg7: memref<4x768x768xf32, #tpu.memory_space<vmem>>, %arg8: memref<4x!tpu.dma_semaphore, #tpu.memory_space<semaphore_mem>>, %arg9: memref<4x!tpu.dma_semaphore, #tpu.memory_space<semaphore_mem>>, %arg10: memref<4x!tpu.dma_semaphore, #tpu.memory_space<semaphore_mem>>) attributes {dimension_semantics = [], scalar_prefetch = 0 : i64, scratch_operands = 5 : i64, tpu.core_type = #tpu.core_type<tc>} {
    %dma_start3A = arith.constant 0 : i32
    %dma_start3A_0 = arith.constant 0 : i32
    %dma_start3A_1 = arith.constant 0 : i32
    %dma_start3A_2 = tpu.memref_slice %arg8[%dma_start3A_1] : memref<4x!tpu.dma_semaphore, #tpu.memory_space<semaphore_mem>> -> memref<1x!tpu.dma_semaphore, #tpu.memory_space<semaphore_mem>>
    %dma_start3A_3 = tpu.memref_squeeze %dma_start3A_2 : memref<1x!tpu.dma_semaphore, #tpu.memory_space<semaphore_mem>> -> memref<!tpu.dma_semaphore, #tpu.memory_space<semaphore_mem>>
    %dma_start3A_4 = arith.constant 0 : i32
    %dma_start3A_5 = arith.constant 0 : i32
    %dma_start3A_6 = tpu.memref_slice %arg6[%dma_start3A_0, %dma_start3A_4, %dma_start3A_5] : memref<4x1536x768xf32, #tpu.memory_space<vmem>> -> memref<1x768x768xf32, #tpu.memory_space<vmem>>
    %dma_start3A_7 = tpu.memref_squeeze %dma_start3A_6 : memref<1x768x768xf32, #tpu.memory_space<vmem>> -> memref<768x768xf32, #tpu.memory_space<vmem>>
    %dma_start3A_8 = arith.constant 0 : i32
    %dma_start3A_9 = arith.constant 0 : i32
    %dma_start3A_10 = tpu.memref_slice %arg3[%dma_start3A, %dma_start3A_8, %dma_start3A_9] : memref<8x1536x768xf32, #tpu.memory_space<any>> -> memref<1x768x768xf32, #tpu.memory_space<any>>
    %dma_start3A_11 = tpu.memref_squeeze %dma_start3A_10 : memref<1x768x768xf32, #tpu.memory_space<any>> -> memref<768x768xf32, #tpu.memory_space<any>>
    tpu.enqueue_dma source(%dma_start3A_11 : memref<768x768xf32, #tpu.memory_space<any>>) target(%dma_start3A_7 : memref<768x768xf32, #tpu.memory_space<vmem>>) target_semaphore(%dma_start3A_3 : memref<!tpu.dma_semaphore, #tpu.memory_space<semaphore_mem>>)
    %dma_start3A_12 = arith.constant 0 : i32
    %dma_start3A_13 = arith.constant 0 : i32
    %dma_start3A_14 = arith.constant 0 : i32
    %dma_start3A_15 = tpu.memref_slice %arg9[%dma_start3A_14] : memref<4x!tpu.dma_semaphore, #tpu.memory_space<semaphore_mem>> -> memref<1x!tpu.dma_semaphore, #tpu.memory_space<semaphore_mem>>
    %dma_start3A_16 = tpu.memref_squeeze %dma_start3A_15 : memref<1x!tpu.dma_semaphore, #tpu.memory_space<semaphore_mem>> -> memref<!tpu.dma_semaphore, #tpu.memory_space<semaphore_mem>>
    %dma_start3A_17 = arith.constant 768 : i32
    %dma_start3A_18 = arith.constant 0 : i32
    %dma_start3A_19 = tpu.memref_slice %arg6[%dma_start3A_13, %dma_start3A_17, %dma_start3A_18] : memref<4x1536x768xf32, #tpu.memory_space<vmem>> -> memref<1x768x768xf32, #tpu.memory_space<vmem>>
    %dma_start3A_20 = tpu.memref_squeeze %dma_start3A_19 : memref<1x768x768xf32, #tpu.memory_space<vmem>> -> memref<768x768xf32, #tpu.memory_space<vmem>>
    %dma_start3A_21 = arith.constant 768 : i32
    %dma_start3A_22 = arith.constant 0 : i32
    %dma_start3A_23 = tpu.memref_slice %arg3[%dma_start3A_12, %dma_start3A_21, %dma_start3A_22] : memref<8x1536x768xf32, #tpu.memory_space<any>> -> memref<1x768x768xf32, #tpu.memory_space<any>>
    %dma_start3A_24 = tpu.memref_squeeze %dma_start3A_23 : memref<1x768x768xf32, #tpu.memory_space<any>> -> memref<768x768xf32, #tpu.memory_space<any>>
    tpu.enqueue_dma source(%dma_start3A_24 : memref<768x768xf32, #tpu.memory_space<any>>) target(%dma_start3A_20 : memref<768x768xf32, #tpu.memory_space<vmem>>) target_semaphore(%dma_start3A_16 : memref<!tpu.dma_semaphore, #tpu.memory_space<semaphore_mem>>)
    %dma_start3A_25 = arith.constant 0 : i32
    %dma_start3A_26 = arith.constant 0 : i32
    %dma_start3A_27 = arith.constant 0 : i32
    %dma_start3A_28 = tpu.memref_slice %arg10[%dma_start3A_27] : memref<4x!tpu.dma_semaphore, #tpu.memory_space<semaphore_mem>> -> memref<1x!tpu.dma_semaphore, #tpu.memory_space<semaphore_mem>>
    %dma_start3A_29 = tpu.memref_squeeze %dma_start3A_28 : memref<1x!tpu.dma_semaphore, #tpu.memory_space<semaphore_mem>> -> memref<!tpu.dma_semaphore, #tpu.memory_space<semaphore_mem>>
    %dma_start3A_30 = arith.constant 0 : i32
    %dma_start3A_31 = arith.constant 0 : i32
    %dma_start3A_32 = tpu.memref_slice %arg7[%dma_start3A_26, %dma_start3A_30, %dma_start3A_31] : memref<4x768x768xf32, #tpu.memory_space<vmem>> -> memref<1x768x768xf32, #tpu.memory_space<vmem>>
    %dma_start3A_33 = tpu.memref_squeeze %dma_start3A_32 : memref<1x768x768xf32, #tpu.memory_space<vmem>> -> memref<768x768xf32, #tpu.memory_space<vmem>>
    %dma_start3A_34 = arith.constant 0 : i32
    %dma_start3A_35 = arith.constant 0 : i32
    %dma_start3A_36 = tpu.memref_slice %arg4[%dma_start3A_25, %dma_start3A_34, %dma_start3A_35] : memref<8x768x768xf32, #tpu.memory_space<any>> -> memref<1x768x768xf32, #tpu.memory_space<any>>
    %dma_start3A_37 = tpu.memref_squeeze %dma_start3A_36 : memref<1x768x768xf32, #tpu.memory_space<any>> -> memref<768x768xf32, #tpu.memory_space<any>>
    tpu.enqueue_dma source(%dma_start3A_37 : memref<768x768xf32, #tpu.memory_space<any>>) target(%dma_start3A_33 : memref<768x768xf32, #tpu.memory_space<vmem>>) target_semaphore(%dma_start3A_29 : memref<!tpu.dma_semaphore, #tpu.memory_space<semaphore_mem>>)
    %dma_start3A_38 = arith.constant 1 : i32
    %dma_start3A_39 = arith.constant 1 : i32
    %dma_start3A_40 = arith.constant 1 : i32
    %dma_start3A_41 = tpu.memref_slice %arg8[%dma_start3A_40] : memref<4x!tpu.dma_semaphore, #tpu.memory_space<semaphore_mem>> -> memref<1x!tpu.dma_semaphore, #tpu.memory_space<semaphore_mem>>
    %dma_start3A_42 = tpu.memref_squeeze %dma_start3A_41 : memref<1x!tpu.dma_semaphore, #tpu.memory_space<semaphore_mem>> -> memref<!tpu.dma_semaphore, #tpu.memory_space<semaphore_mem>>
    %dma_start3A_43 = arith.constant 0 : i32
    %dma_start3A_44 = arith.constant 0 : i32
    %dma_start3A_45 = tpu.memref_slice %arg6[%dma_start3A_39, %dma_start3A_43, %dma_start3A_44] : memref<4x1536x768xf32, #tpu.memory_space<vmem>> -> memref<1x768x768xf32, #tpu.memory_space<vmem>>
    %dma_start3A_46 = tpu.memref_squeeze %dma_start3A_45 : memref<1x768x768xf32, #tpu.memory_space<vmem>> -> memref<768x768xf32, #tpu.memory_space<vmem>>
    %dma_start3A_47 = arith.constant 0 : i32
    %dma_start3A_48 = arith.constant 0 : i32
    %dma_start3A_49 = tpu.memref_slice %arg3[%dma_start3A_38, %dma_start3A_47, %dma_start3A_48] : memref<8x1536x768xf32, #tpu.memory_space<any>> -> memref<1x768x768xf32, #tpu.memory_space<any>>
    %dma_start3A_50 = tpu.memref_squeeze %dma_start3A_49 : memref<1x768x768xf32, #tpu.memory_space<any>> -> memref<768x768xf32, #tpu.memory_space<any>>
    tpu.enqueue_dma source(%dma_start3A_50 : memref<768x768xf32, #tpu.memory_space<any>>) target(%dma_start3A_46 : memref<768x768xf32, #tpu.memory_space<vmem>>) target_semaphore(%dma_start3A_42 : memref<!tpu.dma_semaphore, #tpu.memory_space<semaphore_mem>>)
    %dma_start3A_51 = arith.constant 1 : i32
    %dma_start3A_52 = arith.constant 1 : i32
    %dma_start3A_53 = arith.constant 1 : i32
    %dma_start3A_54 = tpu.memref_slice %arg9[%dma_start3A_53] : memref<4x!tpu.dma_semaphore, #tpu.memory_space<semaphore_mem>> -> memref<1x!tpu.dma_semaphore, #tpu.memory_space<semaphore_mem>>
    %dma_start3A_55 = tpu.memref_squeeze %dma_start3A_54 : memref<1x!tpu.dma_semaphore, #tpu.memory_space<semaphore_mem>> -> memref<!tpu.dma_semaphore, #tpu.memory_space<semaphore_mem>>
    %dma_start3A_56 = arith.constant 768 : i32
    %dma_start3A_57 = arith.constant 0 : i32
    %dma_start3A_58 = tpu.memref_slice %arg6[%dma_start3A_52, %dma_start3A_56, %dma_start3A_57] : memref<4x1536x768xf32, #tpu.memory_space<vmem>> -> memref<1x768x768xf32, #tpu.memory_space<vmem>>
    %dma_start3A_59 = tpu.memref_squeeze %dma_start3A_58 : memref<1x768x768xf32, #tpu.memory_space<vmem>> -> memref<768x768xf32, #tpu.memory_space<vmem>>
    %dma_start3A_60 = arith.constant 768 : i32
    %dma_start3A_61 = arith.constant 0 : i32
    %dma_start3A_62 = tpu.memref_slice %arg3[%dma_start3A_51, %dma_start3A_60, %dma_start3A_61] : memref<8x1536x768xf32, #tpu.memory_space<any>> -> memref<1x768x768xf32, #tpu.memory_space<any>>
    %dma_start3A_63 = tpu.memref_squeeze %dma_start3A_62 : memref<1x768x768xf32, #tpu.memory_space<any>> -> memref<768x768xf32, #tpu.memory_space<any>>
    tpu.enqueue_dma source(%dma_start3A_63 : memref<768x768xf32, #tpu.memory_space<any>>) target(%dma_start3A_59 : memref<768x768xf32, #tpu.memory_space<vmem>>) target_semaphore(%dma_start3A_55 : memref<!tpu.dma_semaphore, #tpu.memory_space<semaphore_mem>>)
    %dma_start3A_64 = arith.constant 1 : i32
    %dma_start3A_65 = arith.constant 1 : i32
    %dma_start3A_66 = arith.constant 1 : i32
    %dma_start3A_67 = tpu.memref_slice %arg10[%dma_start3A_66] : memref<4x!tpu.dma_semaphore, #tpu.memory_space<semaphore_mem>> -> memref<1x!tpu.dma_semaphore, #tpu.memory_space<semaphore_mem>>
    %dma_start3A_68 = tpu.memref_squeeze %dma_start3A_67 : memref<1x!tpu.dma_semaphore, #tpu.memory_space<semaphore_mem>> -> memref<!tpu.dma_semaphore, #tpu.memory_space<semaphore_mem>>
    %dma_start3A_69 = arith.constant 0 : i32
    %dma_start3A_70 = arith.constant 0 : i32
    %dma_start3A_71 = tpu.memref_slice %arg7[%dma_start3A_65, %dma_start3A_69, %dma_start3A_70] : memref<4x768x768xf32, #tpu.memory_space<vmem>> -> memref<1x768x768xf32, #tpu.memory_space<vmem>>
    %dma_start3A_72 = tpu.memref_squeeze %dma_start3A_71 : memref<1x768x768xf32, #tpu.memory_space<vmem>> -> memref<768x768xf32, #tpu.memory_space<vmem>>
    %dma_start3A_73 = arith.constant 0 : i32
    %dma_start3A_74 = arith.constant 0 : i32
    %dma_start3A_75 = tpu.memref_slice %arg4[%dma_start3A_64, %dma_start3A_73, %dma_start3A_74] : memref<8x768x768xf32, #tpu.memory_space<any>> -> memref<1x768x768xf32, #tpu.memory_space<any>>
    %dma_start3A_76 = tpu.memref_squeeze %dma_start3A_75 : memref<1x768x768xf32, #tpu.memory_space<any>> -> memref<768x768xf32, #tpu.memory_space<any>>
    tpu.enqueue_dma source(%dma_start3A_76 : memref<768x768xf32, #tpu.memory_space<any>>) target(%dma_start3A_72 : memref<768x768xf32, #tpu.memory_space<vmem>>) target_semaphore(%dma_start3A_68 : memref<!tpu.dma_semaphore, #tpu.memory_space<semaphore_mem>>)
    %dma_start3A_77 = arith.constant 2 : i32
    %dma_start3A_78 = arith.constant 2 : i32
    %dma_start3A_79 = arith.constant 2 : i32
    %dma_start3A_80 = tpu.memref_slice %arg8[%dma_start3A_79] : memref<4x!tpu.dma_semaphore, #tpu.memory_space<semaphore_mem>> -> memref<1x!tpu.dma_semaphore, #tpu.memory_space<semaphore_mem>>
    %dma_start3A_81 = tpu.memref_squeeze %dma_start3A_80 : memref<1x!tpu.dma_semaphore, #tpu.memory_space<semaphore_mem>> -> memref<!tpu.dma_semaphore, #tpu.memory_space<semaphore_mem>>
    %dma_start3A_82 = arith.constant 0 : i32
    %dma_start3A_83 = arith.constant 0 : i32
    %dma_start3A_84 = tpu.memref_slice %arg6[%dma_start3A_78, %dma_start3A_82, %dma_start3A_83] : memref<4x1536x768xf32, #tpu.memory_space<vmem>> -> memref<1x768x768xf32, #tpu.memory_space<vmem>>
    %dma_start3A_85 = tpu.memref_squeeze %dma_start3A_84 : memref<1x768x768xf32, #tpu.memory_space<vmem>> -> memref<768x768xf32, #tpu.memory_space<vmem>>
    %dma_start3A_86 = arith.constant 0 : i32
    %dma_start3A_87 = arith.constant 0 : i32
    %dma_start3A_88 = tpu.memref_slice %arg3[%dma_start3A_77, %dma_start3A_86, %dma_start3A_87] : memref<8x1536x768xf32, #tpu.memory_space<any>> -> memref<1x768x768xf32, #tpu.memory_space<any>>
    %dma_start3A_89 = tpu.memref_squeeze %dma_start3A_88 : memref<1x768x768xf32, #tpu.memory_space<any>> -> memref<768x768xf32, #tpu.memory_space<any>>
    tpu.enqueue_dma source(%dma_start3A_89 : memref<768x768xf32, #tpu.memory_space<any>>) target(%dma_start3A_85 : memref<768x768xf32, #tpu.memory_space<vmem>>) target_semaphore(%dma_start3A_81 : memref<!tpu.dma_semaphore, #tpu.memory_space<semaphore_mem>>)
    %dma_start3A_90 = arith.constant 2 : i32
    %dma_start3A_91 = arith.constant 2 : i32
    %dma_start3A_92 = arith.constant 2 : i32
    %dma_start3A_93 = tpu.memref_slice %arg9[%dma_start3A_92] : memref<4x!tpu.dma_semaphore, #tpu.memory_space<semaphore_mem>> -> memref<1x!tpu.dma_semaphore, #tpu.memory_space<semaphore_mem>>
    %dma_start3A_94 = tpu.memref_squeeze %dma_start3A_93 : memref<1x!tpu.dma_semaphore, #tpu.memory_space<semaphore_mem>> -> memref<!tpu.dma_semaphore, #tpu.memory_space<semaphore_mem>>
    %dma_start3A_95 = arith.constant 768 : i32
    %dma_start3A_96 = arith.constant 0 : i32
    %dma_start3A_97 = tpu.memref_slice %arg6[%dma_start3A_91, %dma_start3A_95, %dma_start3A_96] : memref<4x1536x768xf32, #tpu.memory_space<vmem>> -> memref<1x768x768xf32, #tpu.memory_space<vmem>>
    %dma_start3A_98 = tpu.memref_squeeze %dma_start3A_97 : memref<1x768x768xf32, #tpu.memory_space<vmem>> -> memref<768x768xf32, #tpu.memory_space<vmem>>
    %dma_start3A_99 = arith.constant 768 : i32
    %dma_start3A_100 = arith.constant 0 : i32
    %dma_start3A_101 = tpu.memref_slice %arg3[%dma_start3A_90, %dma_start3A_99, %dma_start3A_100] : memref<8x1536x768xf32, #tpu.memory_space<any>> -> memref<1x768x768xf32, #tpu.memory_space<any>>
    %dma_start3A_102 = tpu.memref_squeeze %dma_start3A_101 : memref<1x768x768xf32, #tpu.memory_space<any>> -> memref<768x768xf32, #tpu.memory_space<any>>
    tpu.enqueue_dma source(%dma_start3A_102 : memref<768x768xf32, #tpu.memory_space<any>>) target(%dma_start3A_98 : memref<768x768xf32, #tpu.memory_space<vmem>>) target_semaphore(%dma_start3A_94 : memref<!tpu.dma_semaphore, #tpu.memory_space<semaphore_mem>>)
    %dma_start3A_103 = arith.constant 2 : i32
    %dma_start3A_104 = arith.constant 2 : i32
    %dma_start3A_105 = arith.constant 2 : i32
    %dma_start3A_106 = tpu.memref_slice %arg10[%dma_start3A_105] : memref<4x!tpu.dma_semaphore, #tpu.memory_space<semaphore_mem>> -> memref<1x!tpu.dma_semaphore, #tpu.memory_space<semaphore_mem>>
    %dma_start3A_107 = tpu.memref_squeeze %dma_start3A_106 : memref<1x!tpu.dma_semaphore, #tpu.memory_space<semaphore_mem>> -> memref<!tpu.dma_semaphore, #tpu.memory_space<semaphore_mem>>
    %dma_start3A_108 = arith.constant 0 : i32
    %dma_start3A_109 = arith.constant 0 : i32
    %dma_start3A_110 = tpu.memref_slice %arg7[%dma_start3A_104, %dma_start3A_108, %dma_start3A_109] : memref<4x768x768xf32, #tpu.memory_space<vmem>> -> memref<1x768x768xf32, #tpu.memory_space<vmem>>
    %dma_start3A_111 = tpu.memref_squeeze %dma_start3A_110 : memref<1x768x768xf32, #tpu.memory_space<vmem>> -> memref<768x768xf32, #tpu.memory_space<vmem>>
    %dma_start3A_112 = arith.constant 0 : i32
    %dma_start3A_113 = arith.constant 0 : i32
    %dma_start3A_114 = tpu.memref_slice %arg4[%dma_start3A_103, %dma_start3A_112, %dma_start3A_113] : memref<8x768x768xf32, #tpu.memory_space<any>> -> memref<1x768x768xf32, #tpu.memory_space<any>>
    %dma_start3A_115 = tpu.memref_squeeze %dma_start3A_114 : memref<1x768x768xf32, #tpu.memory_space<any>> -> memref<768x768xf32, #tpu.memory_space<any>>
    tpu.enqueue_dma source(%dma_start3A_115 : memref<768x768xf32, #tpu.memory_space<any>>) target(%dma_start3A_111 : memref<768x768xf32, #tpu.memory_space<vmem>>) target_semaphore(%dma_start3A_107 : memref<!tpu.dma_semaphore, #tpu.memory_space<semaphore_mem>>)
    %dma_start3A_116 = arith.constant 3 : i32
    %dma_start3A_117 = arith.constant 3 : i32
    %dma_start3A_118 = arith.constant 3 : i32
    %dma_start3A_119 = tpu.memref_slice %arg8[%dma_start3A_118] : memref<4x!tpu.dma_semaphore, #tpu.memory_space<semaphore_mem>> -> memref<1x!tpu.dma_semaphore, #tpu.memory_space<semaphore_mem>>
    %dma_start3A_120 = tpu.memref_squeeze %dma_start3A_119 : memref<1x!tpu.dma_semaphore, #tpu.memory_space<semaphore_mem>> -> memref<!tpu.dma_semaphore, #tpu.memory_space<semaphore_mem>>
    %dma_start3A_121 = arith.constant 0 : i32
    %dma_start3A_122 = arith.constant 0 : i32
    %dma_start3A_123 = tpu.memref_slice %arg6[%dma_start3A_117, %dma_start3A_121, %dma_start3A_122] : memref<4x1536x768xf32, #tpu.memory_space<vmem>> -> memref<1x768x768xf32, #tpu.memory_space<vmem>>
    %dma_start3A_124 = tpu.memref_squeeze %dma_start3A_123 : memref<1x768x768xf32, #tpu.memory_space<vmem>> -> memref<768x768xf32, #tpu.memory_space<vmem>>
    %dma_start3A_125 = arith.constant 0 : i32
    %dma_start3A_126 = arith.constant 0 : i32
    %dma_start3A_127 = tpu.memref_slice %arg3[%dma_start3A_116, %dma_start3A_125, %dma_start3A_126] : memref<8x1536x768xf32, #tpu.memory_space<any>> -> memref<1x768x768xf32, #tpu.memory_space<any>>
    %dma_start3A_128 = tpu.memref_squeeze %dma_start3A_127 : memref<1x768x768xf32, #tpu.memory_space<any>> -> memref<768x768xf32, #tpu.memory_space<any>>
    tpu.enqueue_dma source(%dma_start3A_128 : memref<768x768xf32, #tpu.memory_space<any>>) target(%dma_start3A_124 : memref<768x768xf32, #tpu.memory_space<vmem>>) target_semaphore(%dma_start3A_120 : memref<!tpu.dma_semaphore, #tpu.memory_space<semaphore_mem>>)
    %dma_start3A_129 = arith.constant 3 : i32
    %dma_start3A_130 = arith.constant 3 : i32
    %dma_start3A_131 = arith.constant 3 : i32
    %dma_start3A_132 = tpu.memref_slice %arg9[%dma_start3A_131] : memref<4x!tpu.dma_semaphore, #tpu.memory_space<semaphore_mem>> -> memref<1x!tpu.dma_semaphore, #tpu.memory_space<semaphore_mem>>
    %dma_start3A_133 = tpu.memref_squeeze %dma_start3A_132 : memref<1x!tpu.dma_semaphore, #tpu.memory_space<semaphore_mem>> -> memref<!tpu.dma_semaphore, #tpu.memory_space<semaphore_mem>>
    %dma_start3A_134 = arith.constant 768 : i32
    %dma_start3A_135 = arith.constant 0 : i32
    %dma_start3A_136 = tpu.memref_slice %arg6[%dma_start3A_130, %dma_start3A_134, %dma_start3A_135] : memref<4x1536x768xf32, #tpu.memory_space<vmem>> -> memref<1x768x768xf32, #tpu.memory_space<vmem>>
    %dma_start3A_137 = tpu.memref_squeeze %dma_start3A_136 : memref<1x768x768xf32, #tpu.memory_space<vmem>> -> memref<768x768xf32, #tpu.memory_space<vmem>>
    %dma_start3A_138 = arith.constant 768 : i32
    %dma_start3A_139 = arith.constant 0 : i32
    %dma_start3A_140 = tpu.memref_slice %arg3[%dma_start3A_129, %dma_start3A_138, %dma_start3A_139] : memref<8x1536x768xf32, #tpu.memory_space<any>> -> memref<1x768x768xf32, #tpu.memory_space<any>>
    %dma_start3A_141 = tpu.memref_squeeze %dma_start3A_140 : memref<1x768x768xf32, #tpu.memory_space<any>> -> memref<768x768xf32, #tpu.memory_space<any>>
    tpu.enqueue_dma source(%dma_start3A_141 : memref<768x768xf32, #tpu.memory_space<any>>) target(%dma_start3A_137 : memref<768x768xf32, #tpu.memory_space<vmem>>) target_semaphore(%dma_start3A_133 : memref<!tpu.dma_semaphore, #tpu.memory_space<semaphore_mem>>)
    %dma_start3A_142 = arith.constant 3 : i32
    %dma_start3A_143 = arith.constant 3 : i32
    %dma_start3A_144 = arith.constant 3 : i32
    %dma_start3A_145 = tpu.memref_slice %arg10[%dma_start3A_144] : memref<4x!tpu.dma_semaphore, #tpu.memory_space<semaphore_mem>> -> memref<1x!tpu.dma_semaphore, #tpu.memory_space<semaphore_mem>>
    %dma_start3A_146 = tpu.memref_squeeze %dma_start3A_145 : memref<1x!tpu.dma_semaphore, #tpu.memory_space<semaphore_mem>> -> memref<!tpu.dma_semaphore, #tpu.memory_space<semaphore_mem>>
    %dma_start3A_147 = arith.constant 0 : i32
    %dma_start3A_148 = arith.constant 0 : i32
    %dma_start3A_149 = tpu.memref_slice %arg7[%dma_start3A_143, %dma_start3A_147, %dma_start3A_148] : memref<4x768x768xf32, #tpu.memory_space<vmem>> -> memref<1x768x768xf32, #tpu.memory_space<vmem>>
    %dma_start3A_150 = tpu.memref_squeeze %dma_start3A_149 : memref<1x768x768xf32, #tpu.memory_space<vmem>> -> memref<768x768xf32, #tpu.memory_space<vmem>>
    %dma_start3A_151 = arith.constant 0 : i32
    %dma_start3A_152 = arith.constant 0 : i32
    %dma_start3A_153 = tpu.memref_slice %arg4[%dma_start3A_142, %dma_start3A_151, %dma_start3A_152] : memref<8x768x768xf32, #tpu.memory_space<any>> -> memref<1x768x768xf32, #tpu.memory_space<any>>
    %dma_start3A_154 = tpu.memref_squeeze %dma_start3A_153 : memref<1x768x768xf32, #tpu.memory_space<any>> -> memref<768x768xf32, #tpu.memory_space<any>>
    tpu.enqueue_dma source(%dma_start3A_154 : memref<768x768xf32, #tpu.memory_space<any>>) target(%dma_start3A_150 : memref<768x768xf32, #tpu.memory_space<vmem>>) target_semaphore(%dma_start3A_146 : memref<!tpu.dma_semaphore, #tpu.memory_space<semaphore_mem>>)
    %get3A = arith.constant 0 : index
    %get3A_155 = arith.constant 0 : index
    %get3A_156 = vector.load %arg0[%get3A, %get3A_155] : memref<64x768xf32, #tpu.memory_space<vmem>>, vector<64x768xf32>
    %convert_element_type3A = arith.truncf %get3A_156 : vector<64x768xf32> to vector<64x768xbf16>
    %iota3A = tpu.iota {dimensions = array<i32: 0>} : vector<768x384xi32>
    %iota3A_157 = tpu.iota {dimensions = array<i32: 1>} : vector<768x384xi32>
    %mul3A = arith.constant 2 : i32
    %mul3A_158 = vector.broadcast %mul3A : i32 to vector<768x384xi32>
    %mul3A_159 = arith.muli %mul3A_158, %iota3A_157 : vector<768x384xi32>
    %eq3A = arith.cmpi eq, %iota3A, %mul3A_159 : vector<768x384xi32>
    %convert_element_type3A_160 = arith.extui %eq3A : vector<768x384xi1> to vector<768x384xi32>
    %convert_element_type3A_161 = arith.sitofp %convert_element_type3A_160 : vector<768x384xi32> to vector<768x384xf32>
    %convert_element_type3A_162 = arith.truncf %convert_element_type3A_161 : vector<768x384xf32> to vector<768x384xbf16>
    %iota3A_163 = tpu.iota {dimensions = array<i32: 1>} : vector<64x768xi32>
    %jit3A = arith.constant 2 : i32
    %eq3A_164 = arith.constant 0 : i32
    %eq3A_165 = arith.cmpi eq, %jit3A, %eq3A_164 : i32
    %jit3A_166 = arith.constant 1 : i32
    %select_n3A = arith.select %eq3A_165, %jit3A_166, %jit3A : i32
    %rem3A = vector.broadcast %select_n3A : i32 to vector<64x768xi32>
    %rem3A_167 = arith.remsi %iota3A_163, %rem3A : vector<64x768xi32>
    %ne3A = arith.constant 0 : i32
    %ne3A_168 = vector.broadcast %ne3A : i32 to vector<64x768xi32>
    %ne3A_169 = arith.cmpi ne, %rem3A_167, %ne3A_168 : vector<64x768xi32>
    %lt3A = arith.constant 0 : i32
    %lt3A_170 = vector.broadcast %lt3A : i32 to vector<64x768xi32>
    %lt3A_171 = arith.cmpi slt, %rem3A_167, %lt3A_170 : vector<64x768xi32>
    %lt3A_172 = arith.constant 0 : i32
    %lt3A_173 = arith.cmpi slt, %select_n3A, %lt3A_172 : i32
    %ne3A_174 = vector.broadcast %lt3A_173 : i1 to vector<64x768xi1>
    %ne3A_175 = vector.broadcast %ne3A_174 : vector<64x768xi1> to vector<64x768xi1>
    %ne3A_176 = arith.xori %lt3A_171, %ne3A_175 : vector<64x768xi1>
    %and3A = arith.andi %ne3A_176, %ne3A_169 : vector<64x768xi1>
    %add3A = vector.broadcast %select_n3A : i32 to vector<64x768xi32>
    %add3A_177 = arith.addi %rem3A_167, %add3A : vector<64x768xi32>
    %select_n3A_178 = arith.select %and3A, %add3A_177, %rem3A_167 : vector<64x768xi1>, vector<64x768xi32>
    %eq3A_179 = arith.constant 0 : i32
    %eq3A_180 = vector.broadcast %eq3A_179 : i32 to vector<64x768xi32>
    %eq3A_181 = arith.cmpi eq, %select_n3A_178, %eq3A_180 : vector<64x768xi32>
    %scan3A = arith.constant 0 : i32
    %scan3A_182 = arith.constant 8 : i32
    %scan3A_183 = arith.addi %scan3A, %scan3A_182 : i32
    %scan3A_184 = arith.constant 1 : i32
    scf.for %scan3A_186 = %scan3A to %scan3A_183 step %scan3A_184  : i32 {
      %rem3A_187 = arith.constant 4 : i32
      %rem3A_188 = arith.remsi %scan3A_186, %rem3A_187 : i32
      %iota3A_189 = tpu.iota {dimensions = array<i32: 1>} : vector<1x8xi32>
      %eq3A_190 = vector.broadcast %scan3A_186 : i32 to vector<1x8xi32>
      %eq3A_191 = arith.cmpi eq, %iota3A_189, %eq3A_190 : vector<1x8xi32>
      %convert_element_type3A_192 = arith.extui %eq3A_191 : vector<1x8xi1> to vector<1x8xi32>
      %convert_element_type3A_193 = arith.sitofp %convert_element_type3A_192 : vector<1x8xi32> to vector<1x8xf32>
      %get3A_194 = arith.constant 0 : index
      %get3A_195 = arith.constant 0 : index
      %get3A_196 = vector.load %arg1[%get3A_194, %get3A_195] : memref<8x1536xf32, #tpu.memory_space<vmem>>, vector<8x1536xf32>
      %dot_general3A = arith.constant dense<0.000000e+00> : vector<1x1536xf32>
      %dot_general3A_197 = tpu.matmul %convert_element_type3A_193, %get3A_196, %dot_general3A {dimension_numbers = #tpu.dot_dimension_numbers<[1], [0], [0], [1], [0, 0, 1, 1], [], []>, transpose_lhs_hint = false} : vector<1x8xf32>, vector<8x1536xf32>, vector<1x1536xf32> -> vector<1x1536xf32>
      %get3A_198 = arith.constant 0 : index
      %get3A_199 = arith.constant 0 : index
      %get3A_200 = vector.load %arg2[%get3A_198, %get3A_199] : memref<8x768xf32, #tpu.memory_space<vmem>>, vector<8x768xf32>
      %dot_general3A_201 = arith.constant dense<0.000000e+00> : vector<1x768xf32>
      %dot_general3A_202 = tpu.matmul %convert_element_type3A_193, %get3A_200, %dot_general3A_201 {dimension_numbers = #tpu.dot_dimension_numbers<[1], [0], [0], [1], [0, 0, 1, 1], [], []>, transpose_lhs_hint = false} : vector<1x8xf32>, vector<8x768xf32>, vector<1x768xf32> -> vector<1x768xf32>
      %dma_wait3A = tpu.memref_slice %arg8[%rem3A_188] : memref<4x!tpu.dma_semaphore, #tpu.memory_space<semaphore_mem>> -> memref<1x!tpu.dma_semaphore, #tpu.memory_space<semaphore_mem>>
      %dma_wait3A_203 = tpu.memref_squeeze %dma_wait3A : memref<1x!tpu.dma_semaphore, #tpu.memory_space<semaphore_mem>> -> memref<!tpu.dma_semaphore, #tpu.memory_space<semaphore_mem>>
      %dma_wait3A_204 = arith.constant 0 : i32
      %dma_wait3A_205 = arith.constant 0 : i32
      %dma_wait3A_206 = tpu.memref_slice %arg6[%rem3A_188, %dma_wait3A_204, %dma_wait3A_205] : memref<4x1536x768xf32, #tpu.memory_space<vmem>> -> memref<1x768x768xf32, #tpu.memory_space<vmem>>
      %dma_wait3A_207 = tpu.memref_squeeze %dma_wait3A_206 : memref<1x768x768xf32, #tpu.memory_space<vmem>> -> memref<768x768xf32, #tpu.memory_space<vmem>>
      %dma_wait3A_208 = arith.constant 0 : i32
      %dma_wait3A_209 = arith.constant 0 : i32
      %dma_wait3A_210 = tpu.memref_slice %arg3[%scan3A_186, %dma_wait3A_208, %dma_wait3A_209] : memref<8x1536x768xf32, #tpu.memory_space<any>> -> memref<1x768x768xf32, #tpu.memory_space<any>>
      %dma_wait3A_211 = tpu.memref_squeeze %dma_wait3A_210 : memref<1x768x768xf32, #tpu.memory_space<any>> -> memref<768x768xf32, #tpu.memory_space<any>>
      tpu.wait_dma2 semaphore(%dma_wait3A_203 : memref<!tpu.dma_semaphore, #tpu.memory_space<semaphore_mem>>) src(%dma_wait3A_211 : memref<768x768xf32, #tpu.memory_space<any>>) dst(%dma_wait3A_207 : memref<768x768xf32, #tpu.memory_space<vmem>>)
      %get3A_212 = arith.index_cast %rem3A_188 : i32 to index
      %get3A_213 = arith.constant 0 : index
      %get3A_214 = arith.constant 0 : index
      %get3A_215 = vector.load %arg6[%get3A_212, %get3A_213, %get3A_214] : memref<4x1536x768xf32, #tpu.memory_space<vmem>>, vector<1x768x768xf32>
      %get3A_216 = vector.shape_cast %get3A_215 : vector<1x768x768xf32> to vector<768x768xf32>
      %convert_element_type3A_217 = arith.truncf %get3A_216 : vector<768x768xf32> to vector<768x768xbf16>
      %dot_general3A_218 = arith.constant dense<0.000000e+00> : vector<64x768xf32>
      %dot_general3A_219 = tpu.matmul %convert_element_type3A, %convert_element_type3A_217, %dot_general3A_218 {dimension_numbers = #tpu.dot_dimension_numbers<[1], [1], [0], [0], [0, 0, 1, 0], [], []>, transpose_lhs_hint = false} : vector<64x768xbf16>, vector<768x768xbf16>, vector<64x768xf32> -> vector<64x768xf32>
      %slice3A = vector.extract_strided_slice %dot_general3A_197 {offsets = [0, 0], sizes = [1, 768], strides = [1, 1]} : vector<1x1536xf32> to vector<1x768xf32>
      %add3A_220 = vector.broadcast %slice3A : vector<1x768xf32> to vector<64x768xf32>
      %add3A_221 = arith.addf %dot_general3A_219, %add3A_220 : vector<64x768xf32>
      %min3A = arith.constant 7.000000e+00 : f32
      %min3A_222 = vector.broadcast %min3A : f32 to vector<64x768xf32>
      %min3A_223 = arith.minimumf %add3A_221, %min3A_222 : vector<64x768xf32>
      %mul3A_224 = arith.constant 1.702000e+00 : f32
      %mul3A_225 = vector.broadcast %mul3A_224 : f32 to vector<64x768xf32>
      %mul3A_226 = arith.mulf %mul3A_225, %min3A_223 : vector<64x768xf32>
      %logistic3A = arith.negf %mul3A_226 : vector<64x768xf32>
      %logistic3A_227 = math.exp %logistic3A : vector<64x768xf32>
      %logistic3A_228 = arith.constant 1.000000e+00 : f32
      %logistic3A_229 = vector.broadcast %logistic3A_228 : f32 to vector<64x768xf32>
      %logistic3A_230 = arith.addf %logistic3A_229, %logistic3A_227 : vector<64x768xf32>
      %logistic3A_231 = arith.divf %logistic3A_229, %logistic3A_230 : vector<64x768xf32>
      %mul3A_232 = arith.mulf %min3A_223, %logistic3A_231 : vector<64x768xf32>
      %jit3A_233 = arith.constant -7.000000e+00 : f32
      %jit3A_234 = arith.constant 7.000000e+00 : f32
      %max3A = vector.broadcast %jit3A_233 : f32 to vector<64x768xf32>
      %max3A_235 = arith.maximumf %max3A, %add3A_221 : vector<64x768xf32>
      %min3A_236 = vector.broadcast %jit3A_234 : f32 to vector<64x768xf32>
      %min3A_237 = arith.minimumf %min3A_236, %max3A_235 : vector<64x768xf32>
      %add3A_238 = arith.constant 1.000000e+00 : f32
      %add3A_239 = vector.broadcast %add3A_238 : f32 to vector<64x768xf32>
      %add3A_240 = arith.addf %min3A_237, %add3A_239 : vector<64x768xf32>
      %roll3A = arith.constant 767 : i32
      %roll3A_241 = tpu.dynamic_rotate %add3A_240 by %roll3A dim 1 : vector<64x768xf32>, i32 -> vector<64x768xf32>
      %mul3A_242 = arith.mulf %mul3A_232, %roll3A_241 : vector<64x768xf32>
      %jit3A_243 = arith.constant 0.000000e+00 : f32
      %broadcast_in_dim3A = vector.broadcast %jit3A_243 : f32 to vector<64x768xf32>
      %select_n3A_244 = arith.select %eq3A_181, %mul3A_242, %broadcast_in_dim3A : vector<64x768xi1>, vector<64x768xf32>
      %convert_element_type3A_245 = arith.truncf %select_n3A_244 : vector<64x768xf32> to vector<64x768xbf16>
      %dot_general3A_246 = arith.constant dense<0.000000e+00> : vector<64x384xf32>
      %dot_general3A_247 = tpu.matmul %convert_element_type3A_245, %convert_element_type3A_162, %dot_general3A_246 {dimension_numbers = #tpu.dot_dimension_numbers<[1], [0], [0], [1], [0, 0, 1, 1], [], []>, transpose_lhs_hint = false} : vector<64x768xbf16>, vector<768x384xbf16>, vector<64x384xf32> -> vector<64x384xf32>
      %dma_wait3A_248 = tpu.memref_slice %arg9[%rem3A_188] : memref<4x!tpu.dma_semaphore, #tpu.memory_space<semaphore_mem>> -> memref<1x!tpu.dma_semaphore, #tpu.memory_space<semaphore_mem>>
      %dma_wait3A_249 = tpu.memref_squeeze %dma_wait3A_248 : memref<1x!tpu.dma_semaphore, #tpu.memory_space<semaphore_mem>> -> memref<!tpu.dma_semaphore, #tpu.memory_space<semaphore_mem>>
      %dma_wait3A_250 = arith.constant 768 : i32
      %dma_wait3A_251 = arith.constant 0 : i32
      %dma_wait3A_252 = tpu.memref_slice %arg6[%rem3A_188, %dma_wait3A_250, %dma_wait3A_251] : memref<4x1536x768xf32, #tpu.memory_space<vmem>> -> memref<1x768x768xf32, #tpu.memory_space<vmem>>
      %dma_wait3A_253 = tpu.memref_squeeze %dma_wait3A_252 : memref<1x768x768xf32, #tpu.memory_space<vmem>> -> memref<768x768xf32, #tpu.memory_space<vmem>>
      %dma_wait3A_254 = arith.constant 768 : i32
      %dma_wait3A_255 = arith.constant 0 : i32
      %dma_wait3A_256 = tpu.memref_slice %arg3[%scan3A_186, %dma_wait3A_254, %dma_wait3A_255] : memref<8x1536x768xf32, #tpu.memory_space<any>> -> memref<1x768x768xf32, #tpu.memory_space<any>>
      %dma_wait3A_257 = tpu.memref_squeeze %dma_wait3A_256 : memref<1x768x768xf32, #tpu.memory_space<any>> -> memref<768x768xf32, #tpu.memory_space<any>>
      tpu.wait_dma2 semaphore(%dma_wait3A_249 : memref<!tpu.dma_semaphore, #tpu.memory_space<semaphore_mem>>) src(%dma_wait3A_257 : memref<768x768xf32, #tpu.memory_space<any>>) dst(%dma_wait3A_253 : memref<768x768xf32, #tpu.memory_space<vmem>>)
      %get3A_258 = arith.index_cast %rem3A_188 : i32 to index
      %get3A_259 = arith.constant 768 : index
      %get3A_260 = arith.constant 0 : index
      %get3A_261 = vector.load %arg6[%get3A_258, %get3A_259, %get3A_260] : memref<4x1536x768xf32, #tpu.memory_space<vmem>>, vector<1x768x768xf32>
      %get3A_262 = vector.shape_cast %get3A_261 : vector<1x768x768xf32> to vector<768x768xf32>
      %convert_element_type3A_263 = arith.truncf %get3A_262 : vector<768x768xf32> to vector<768x768xbf16>
      %dot_general3A_264 = arith.constant dense<0.000000e+00> : vector<64x768xf32>
      %dot_general3A_265 = tpu.matmul %convert_element_type3A, %convert_element_type3A_263, %dot_general3A_264 {dimension_numbers = #tpu.dot_dimension_numbers<[1], [1], [0], [0], [0, 0, 1, 0], [], []>, transpose_lhs_hint = false} : vector<64x768xbf16>, vector<768x768xbf16>, vector<64x768xf32> -> vector<64x768xf32>
      %slice3A_266 = vector.extract_strided_slice %dot_general3A_197 {offsets = [0, 768], sizes = [1, 768], strides = [1, 1]} : vector<1x1536xf32> to vector<1x768xf32>
      %add3A_267 = vector.broadcast %slice3A_266 : vector<1x768xf32> to vector<64x768xf32>
      %add3A_268 = arith.addf %dot_general3A_265, %add3A_267 : vector<64x768xf32>
      %min3A_269 = arith.constant 7.000000e+00 : f32
      %min3A_270 = vector.broadcast %min3A_269 : f32 to vector<64x768xf32>
      %min3A_271 = arith.minimumf %add3A_268, %min3A_270 : vector<64x768xf32>
      %mul3A_272 = arith.constant 1.702000e+00 : f32
      %mul3A_273 = vector.broadcast %mul3A_272 : f32 to vector<64x768xf32>
      %mul3A_274 = arith.mulf %mul3A_273, %min3A_271 : vector<64x768xf32>
      %logistic3A_275 = arith.negf %mul3A_274 : vector<64x768xf32>
      %logistic3A_276 = math.exp %logistic3A_275 : vector<64x768xf32>
      %logistic3A_277 = arith.constant 1.000000e+00 : f32
      %logistic3A_278 = vector.broadcast %logistic3A_277 : f32 to vector<64x768xf32>
      %logistic3A_279 = arith.addf %logistic3A_278, %logistic3A_276 : vector<64x768xf32>
      %logistic3A_280 = arith.divf %logistic3A_278, %logistic3A_279 : vector<64x768xf32>
      %mul3A_281 = arith.mulf %min3A_271, %logistic3A_280 : vector<64x768xf32>
      %jit3A_282 = arith.constant -7.000000e+00 : f32
      %jit3A_283 = arith.constant 7.000000e+00 : f32
      %max3A_284 = vector.broadcast %jit3A_282 : f32 to vector<64x768xf32>
      %max3A_285 = arith.maximumf %max3A_284, %add3A_268 : vector<64x768xf32>
      %min3A_286 = vector.broadcast %jit3A_283 : f32 to vector<64x768xf32>
      %min3A_287 = arith.minimumf %min3A_286, %max3A_285 : vector<64x768xf32>
      %add3A_288 = arith.constant 1.000000e+00 : f32
      %add3A_289 = vector.broadcast %add3A_288 : f32 to vector<64x768xf32>
      %add3A_290 = arith.addf %min3A_287, %add3A_289 : vector<64x768xf32>
      %roll3A_291 = arith.constant 767 : i32
      %roll3A_292 = tpu.dynamic_rotate %add3A_290 by %roll3A_291 dim 1 : vector<64x768xf32>, i32 -> vector<64x768xf32>
      %mul3A_293 = arith.mulf %mul3A_281, %roll3A_292 : vector<64x768xf32>
      %jit3A_294 = arith.constant 0.000000e+00 : f32
      %broadcast_in_dim3A_295 = vector.broadcast %jit3A_294 : f32 to vector<64x768xf32>
      %select_n3A_296 = arith.select %eq3A_181, %mul3A_293, %broadcast_in_dim3A_295 : vector<64x768xi1>, vector<64x768xf32>
      %convert_element_type3A_297 = arith.truncf %select_n3A_296 : vector<64x768xf32> to vector<64x768xbf16>
      %dot_general3A_298 = arith.constant dense<0.000000e+00> : vector<64x384xf32>
      %dot_general3A_299 = tpu.matmul %convert_element_type3A_297, %convert_element_type3A_162, %dot_general3A_298 {dimension_numbers = #tpu.dot_dimension_numbers<[1], [0], [0], [1], [0, 0, 1, 1], [], []>, transpose_lhs_hint = false} : vector<64x768xbf16>, vector<768x384xbf16>, vector<64x384xf32> -> vector<64x384xf32>
      %concatenate3A = tpu.concatenate %dot_general3A_247, %dot_general3A_299 in 1 : vector<64x384xf32>, vector<64x384xf32> -> vector<64x768xf32>
      %convert_element_type3A_300 = arith.truncf %concatenate3A : vector<64x768xf32> to vector<64x768xbf16>
      %dma_wait3A_301 = tpu.memref_slice %arg10[%rem3A_188] : memref<4x!tpu.dma_semaphore, #tpu.memory_space<semaphore_mem>> -> memref<1x!tpu.dma_semaphore, #tpu.memory_space<semaphore_mem>>
      %dma_wait3A_302 = tpu.memref_squeeze %dma_wait3A_301 : memref<1x!tpu.dma_semaphore, #tpu.memory_space<semaphore_mem>> -> memref<!tpu.dma_semaphore, #tpu.memory_space<semaphore_mem>>
      %dma_wait3A_303 = arith.constant 0 : i32
      %dma_wait3A_304 = arith.constant 0 : i32
      %dma_wait3A_305 = tpu.memref_slice %arg7[%rem3A_188, %dma_wait3A_303, %dma_wait3A_304] : memref<4x768x768xf32, #tpu.memory_space<vmem>> -> memref<1x768x768xf32, #tpu.memory_space<vmem>>
      %dma_wait3A_306 = tpu.memref_squeeze %dma_wait3A_305 : memref<1x768x768xf32, #tpu.memory_space<vmem>> -> memref<768x768xf32, #tpu.memory_space<vmem>>
      %dma_wait3A_307 = arith.constant 0 : i32
      %dma_wait3A_308 = arith.constant 0 : i32
      %dma_wait3A_309 = tpu.memref_slice %arg4[%scan3A_186, %dma_wait3A_307, %dma_wait3A_308] : memref<8x768x768xf32, #tpu.memory_space<any>> -> memref<1x768x768xf32, #tpu.memory_space<any>>
      %dma_wait3A_310 = tpu.memref_squeeze %dma_wait3A_309 : memref<1x768x768xf32, #tpu.memory_space<any>> -> memref<768x768xf32, #tpu.memory_space<any>>
      tpu.wait_dma2 semaphore(%dma_wait3A_302 : memref<!tpu.dma_semaphore, #tpu.memory_space<semaphore_mem>>) src(%dma_wait3A_310 : memref<768x768xf32, #tpu.memory_space<any>>) dst(%dma_wait3A_306 : memref<768x768xf32, #tpu.memory_space<vmem>>)
      %get3A_311 = arith.index_cast %rem3A_188 : i32 to index
      %get3A_312 = arith.constant 0 : index
      %get3A_313 = arith.constant 0 : index
      %get3A_314 = vector.load %arg7[%get3A_311, %get3A_312, %get3A_313] : memref<4x768x768xf32, #tpu.memory_space<vmem>>, vector<1x768x768xf32>
      %get3A_315 = vector.shape_cast %get3A_314 : vector<1x768x768xf32> to vector<768x768xf32>
      %convert_element_type3A_316 = arith.truncf %get3A_315 : vector<768x768xf32> to vector<768x768xbf16>
      %dot_general3A_317 = arith.constant dense<0.000000e+00> : vector<64x768xf32>
      %dot_general3A_318 = tpu.matmul %convert_element_type3A_300, %convert_element_type3A_316, %dot_general3A_317 {dimension_numbers = #tpu.dot_dimension_numbers<[1], [1], [0], [0], [0, 0, 1, 0], [], []>, transpose_lhs_hint = false} : vector<64x768xbf16>, vector<768x768xbf16>, vector<64x768xf32> -> vector<64x768xf32>
      %add3A_319 = vector.broadcast %dot_general3A_202 : vector<1x768xf32> to vector<64x768xf32>
      %add3A_320 = arith.addf %add3A_319, %dot_general3A_318 : vector<64x768xf32>
      %swap3A = arith.index_cast %scan3A_186 : i32 to index
      %swap3A_321 = arith.constant 0 : index
      %swap3A_322 = arith.constant 0 : index
      %swap3A_323 = vector.load %arg5[%swap3A, %swap3A_321, %swap3A_322] : memref<8x64x768xf32, #tpu.memory_space<vmem>>, vector<1x64x768xf32>
      %swap3A_324 = vector.shape_cast %swap3A_323 : vector<1x64x768xf32> to vector<64x768xf32>
      %swap3A_325 = vector.shape_cast %add3A_320 : vector<64x768xf32> to vector<1x64x768xf32>
      tpu.vector_store %arg5[%swap3A, %swap3A_321, %swap3A_322], %swap3A_325 {strides = array<i32>} : memref<8x64x768xf32, #tpu.memory_space<vmem>>, vector<1x64x768xf32>,
      %add3A_326 = arith.constant 4 : i32
      %add3A_327 = arith.addi %scan3A_186, %add3A_326 : i32
      %lt3A_328 = arith.constant 8 : i32
      %lt3A_329 = arith.cmpi slt, %add3A_327, %lt3A_328 : i32
      %convert_element_type3A_330 = arith.extui %lt3A_329 : i1 to i32
      %cond3A = arith.constant 0 : i32
      %cond3A_331 = arith.cmpi ne, %convert_element_type3A_330, %cond3A : i32
      scf.if %cond3A_331 {
        %add3A_332 = arith.constant 4 : i32
        %add3A_333 = arith.addi %scan3A_186, %add3A_332 : i32
        %dma_start3A_334 = tpu.memref_slice %arg8[%rem3A_188] : memref<4x!tpu.dma_semaphore, #tpu.memory_space<semaphore_mem>> -> memref<1x!tpu.dma_semaphore, #tpu.memory_space<semaphore_mem>>
        %dma_start3A_335 = tpu.memref_squeeze %dma_start3A_334 : memref<1x!tpu.dma_semaphore, #tpu.memory_space<semaphore_mem>> -> memref<!tpu.dma_semaphore, #tpu.memory_space<semaphore_mem>>
        %dma_start3A_336 = arith.constant 0 : i32
        %dma_start3A_337 = arith.constant 0 : i32
        %dma_start3A_338 = tpu.memref_slice %arg6[%rem3A_188, %dma_start3A_336, %dma_start3A_337] : memref<4x1536x768xf32, #tpu.memory_space<vmem>> -> memref<1x768x768xf32, #tpu.memory_space<vmem>>
        %dma_start3A_339 = tpu.memref_squeeze %dma_start3A_338 : memref<1x768x768xf32, #tpu.memory_space<vmem>> -> memref<768x768xf32, #tpu.memory_space<vmem>>
        %dma_start3A_340 = arith.constant 0 : i32
        %dma_start3A_341 = arith.constant 0 : i32
        %dma_start3A_342 = tpu.memref_slice %arg3[%add3A_333, %dma_start3A_340, %dma_start3A_341] : memref<8x1536x768xf32, #tpu.memory_space<any>> -> memref<1x768x768xf32, #tpu.memory_space<any>>
        %dma_start3A_343 = tpu.memref_squeeze %dma_start3A_342 : memref<1x768x768xf32, #tpu.memory_space<any>> -> memref<768x768xf32, #tpu.memory_space<any>>
        tpu.enqueue_dma source(%dma_start3A_343 : memref<768x768xf32, #tpu.memory_space<any>>) target(%dma_start3A_339 : memref<768x768xf32, #tpu.memory_space<vmem>>) target_semaphore(%dma_start3A_335 : memref<!tpu.dma_semaphore, #tpu.memory_space<semaphore_mem>>)
        %dma_start3A_344 = tpu.memref_slice %arg9[%rem3A_188] : memref<4x!tpu.dma_semaphore, #tpu.memory_space<semaphore_mem>> -> memref<1x!tpu.dma_semaphore, #tpu.memory_space<semaphore_mem>>
        %dma_start3A_345 = tpu.memref_squeeze %dma_start3A_344 : memref<1x!tpu.dma_semaphore, #tpu.memory_space<semaphore_mem>> -> memref<!tpu.dma_semaphore, #tpu.memory_space<semaphore_mem>>
        %dma_start3A_346 = arith.constant 768 : i32
        %dma_start3A_347 = arith.constant 0 : i32
        %dma_start3A_348 = tpu.memref_slice %arg6[%rem3A_188, %dma_start3A_346, %dma_start3A_347] : memref<4x1536x768xf32, #tpu.memory_space<vmem>> -> memref<1x768x768xf32, #tpu.memory_space<vmem>>
        %dma_start3A_349 = tpu.memref_squeeze %dma_start3A_348 : memref<1x768x768xf32, #tpu.memory_space<vmem>> -> memref<768x768xf32, #tpu.memory_space<vmem>>
        %dma_start3A_350 = arith.constant 768 : i32
        %dma_start3A_351 = arith.constant 0 : i32
        %dma_start3A_352 = tpu.memref_slice %arg3[%add3A_333, %dma_start3A_350, %dma_start3A_351] : memref<8x1536x768xf32, #tpu.memory_space<any>> -> memref<1x768x768xf32, #tpu.memory_space<any>>
        %dma_start3A_353 = tpu.memref_squeeze %dma_start3A_352 : memref<1x768x768xf32, #tpu.memory_space<any>> -> memref<768x768xf32, #tpu.memory_space<any>>
        tpu.enqueue_dma source(%dma_start3A_353 : memref<768x768xf32, #tpu.memory_space<any>>) target(%dma_start3A_349 : memref<768x768xf32, #tpu.memory_space<vmem>>) target_semaphore(%dma_start3A_345 : memref<!tpu.dma_semaphore, #tpu.memory_space<semaphore_mem>>)
        %dma_start3A_354 = tpu.memref_slice %arg10[%rem3A_188] : memref<4x!tpu.dma_semaphore, #tpu.memory_space<semaphore_mem>> -> memref<1x!tpu.dma_semaphore, #tpu.memory_space<semaphore_mem>>
        %dma_start3A_355 = tpu.memref_squeeze %dma_start3A_354 : memref<1x!tpu.dma_semaphore, #tpu.memory_space<semaphore_mem>> -> memref<!tpu.dma_semaphore, #tpu.memory_space<semaphore_mem>>
        %dma_start3A_356 = arith.constant 0 : i32
        %dma_start3A_357 = arith.constant 0 : i32
        %dma_start3A_358 = tpu.memref_slice %arg7[%rem3A_188, %dma_start3A_356, %dma_start3A_357] : memref<4x768x768xf32, #tpu.memory_space<vmem>> -> memref<1x768x768xf32, #tpu.memory_space<vmem>>
        %dma_start3A_359 = tpu.memref_squeeze %dma_start3A_358 : memref<1x768x768xf32, #tpu.memory_space<vmem>> -> memref<768x768xf32, #tpu.memory_space<vmem>>
        %dma_start3A_360 = arith.constant 0 : i32
        %dma_start3A_361 = arith.constant 0 : i32
        %dma_start3A_362 = tpu.memref_slice %arg4[%add3A_333, %dma_start3A_360, %dma_start3A_361] : memref<8x768x768xf32, #tpu.memory_space<any>> -> memref<1x768x768xf32, #tpu.memory_space<any>>
        %dma_start3A_363 = tpu.memref_squeeze %dma_start3A_362 : memref<1x768x768xf32, #tpu.memory_space<any>> -> memref<768x768xf32, #tpu.memory_space<any>>
        tpu.enqueue_dma source(%dma_start3A_363 : memref<768x768xf32, #tpu.memory_space<any>>) target(%dma_start3A_359 : memref<768x768xf32, #tpu.memory_space<vmem>>) target_semaphore(%dma_start3A_355 : memref<!tpu.dma_semaphore, #tpu.memory_space<semaphore_mem>>)
      } else {
      }
    }
    %scan3A_185 = arith.constant 8 : i32
    return
  }
}

module attributes {stable_mosaic.version = 14 : i64} {
  func.func @_combine_body(%arg0: memref<16x4x768xf32, #tpu.memory_space<vmem>>, %arg1: memref<8x64xf32, #tpu.memory_space<vmem>>, %arg2: memref<8x64x768xf32, #tpu.memory_space<vmem>>, %arg3: memref<16x4x768xf32, #tpu.memory_space<vmem>>) attributes {dimension_semantics = [], scalar_prefetch = 0 : i64, scratch_operands = 0 : i64, tpu.core_type = #tpu.core_type<tc>} {
    %iota3A = tpu.iota {dimensions = array<i32: 0>} : vector<64x64xi32>
    %iota3A_0 = tpu.iota {dimensions = array<i32: 1>} : vector<64x64xi32>
    %eq3A = arith.cmpi eq, %iota3A, %iota3A_0 : vector<64x64xi32>
    %convert_element_type3A = arith.extui %eq3A : vector<64x64xi1> to vector<64x64xi32>
    %convert_element_type3A_1 = arith.sitofp %convert_element_type3A : vector<64x64xi32> to vector<64x64xf32>
    %get3A = arith.constant 0 : index
    %get3A_2 = arith.constant 0 : index
    %get3A_3 = vector.load %arg1[%get3A, %get3A_2] : memref<8x64xf32, #tpu.memory_space<vmem>>, vector<8x64xf32>
    %dot_general3A = arith.constant dense<0.000000e+00> : vector<64x8xf32>
    %dot_general3A_4 = tpu.matmul %convert_element_type3A_1, %get3A_3, %dot_general3A {dimension_numbers = #tpu.dot_dimension_numbers<[1], [1], [0], [0], [0, 0, 1, 0], [], []>, transpose_lhs_hint = false} : vector<64x64xf32>, vector<8x64xf32>, vector<64x8xf32> -> vector<64x8xf32>
    %get3A_5 = arith.constant 0 : index
    %get3A_6 = arith.constant 0 : index
    %get3A_7 = arith.constant 0 : index
    %get3A_8 = vector.load %arg0[%get3A_5, %get3A_6, %get3A_7] : memref<16x4x768xf32, #tpu.memory_space<vmem>>, vector<16x4x768xf32>
    %reshape3A = vector.shape_cast %get3A_8 : vector<16x4x768xf32> to vector<64x768xf32>
    %slice3A = vector.extract_strided_slice %dot_general3A_4 {offsets = [0, 0], sizes = [64, 1], strides = [1, 1]} : vector<64x8xf32> to vector<64x1xf32>
    %get3A_9 = arith.constant 0 : index
    %get3A_10 = arith.constant 0 : index
    %get3A_11 = arith.constant 0 : index
    %get3A_12 = vector.load %arg2[%get3A_9, %get3A_10, %get3A_11] : memref<8x64x768xf32, #tpu.memory_space<vmem>>, vector<1x64x768xf32>
    %get3A_13 = vector.shape_cast %get3A_12 : vector<1x64x768xf32> to vector<64x768xf32>
    %mul3A = vector.broadcast %slice3A : vector<64x1xf32> to vector<64x768xf32>
    %mul3A_14 = arith.mulf %mul3A, %get3A_13 : vector<64x768xf32>
    %add3A = arith.addf %reshape3A, %mul3A_14 : vector<64x768xf32>
    %slice3A_15 = vector.extract_strided_slice %dot_general3A_4 {offsets = [0, 1], sizes = [64, 1], strides = [1, 1]} : vector<64x8xf32> to vector<64x1xf32>
    %get3A_16 = arith.constant 1 : index
    %get3A_17 = arith.constant 0 : index
    %get3A_18 = arith.constant 0 : index
    %get3A_19 = vector.load %arg2[%get3A_16, %get3A_17, %get3A_18] : memref<8x64x768xf32, #tpu.memory_space<vmem>>, vector<1x64x768xf32>
    %get3A_20 = vector.shape_cast %get3A_19 : vector<1x64x768xf32> to vector<64x768xf32>
    %mul3A_21 = vector.broadcast %slice3A_15 : vector<64x1xf32> to vector<64x768xf32>
    %mul3A_22 = arith.mulf %mul3A_21, %get3A_20 : vector<64x768xf32>
    %add3A_23 = arith.addf %add3A, %mul3A_22 : vector<64x768xf32>
    %slice3A_24 = vector.extract_strided_slice %dot_general3A_4 {offsets = [0, 2], sizes = [64, 1], strides = [1, 1]} : vector<64x8xf32> to vector<64x1xf32>
    %get3A_25 = arith.constant 2 : index
    %get3A_26 = arith.constant 0 : index
    %get3A_27 = arith.constant 0 : index
    %get3A_28 = vector.load %arg2[%get3A_25, %get3A_26, %get3A_27] : memref<8x64x768xf32, #tpu.memory_space<vmem>>, vector<1x64x768xf32>
    %get3A_29 = vector.shape_cast %get3A_28 : vector<1x64x768xf32> to vector<64x768xf32>
    %mul3A_30 = vector.broadcast %slice3A_24 : vector<64x1xf32> to vector<64x768xf32>
    %mul3A_31 = arith.mulf %mul3A_30, %get3A_29 : vector<64x768xf32>
    %add3A_32 = arith.addf %add3A_23, %mul3A_31 : vector<64x768xf32>
    %slice3A_33 = vector.extract_strided_slice %dot_general3A_4 {offsets = [0, 3], sizes = [64, 1], strides = [1, 1]} : vector<64x8xf32> to vector<64x1xf32>
    %get3A_34 = arith.constant 3 : index
    %get3A_35 = arith.constant 0 : index
    %get3A_36 = arith.constant 0 : index
    %get3A_37 = vector.load %arg2[%get3A_34, %get3A_35, %get3A_36] : memref<8x64x768xf32, #tpu.memory_space<vmem>>, vector<1x64x768xf32>
    %get3A_38 = vector.shape_cast %get3A_37 : vector<1x64x768xf32> to vector<64x768xf32>
    %mul3A_39 = vector.broadcast %slice3A_33 : vector<64x1xf32> to vector<64x768xf32>
    %mul3A_40 = arith.mulf %mul3A_39, %get3A_38 : vector<64x768xf32>
    %add3A_41 = arith.addf %add3A_32, %mul3A_40 : vector<64x768xf32>
    %slice3A_42 = vector.extract_strided_slice %dot_general3A_4 {offsets = [0, 4], sizes = [64, 1], strides = [1, 1]} : vector<64x8xf32> to vector<64x1xf32>
    %get3A_43 = arith.constant 4 : index
    %get3A_44 = arith.constant 0 : index
    %get3A_45 = arith.constant 0 : index
    %get3A_46 = vector.load %arg2[%get3A_43, %get3A_44, %get3A_45] : memref<8x64x768xf32, #tpu.memory_space<vmem>>, vector<1x64x768xf32>
    %get3A_47 = vector.shape_cast %get3A_46 : vector<1x64x768xf32> to vector<64x768xf32>
    %mul3A_48 = vector.broadcast %slice3A_42 : vector<64x1xf32> to vector<64x768xf32>
    %mul3A_49 = arith.mulf %mul3A_48, %get3A_47 : vector<64x768xf32>
    %add3A_50 = arith.addf %add3A_41, %mul3A_49 : vector<64x768xf32>
    %slice3A_51 = vector.extract_strided_slice %dot_general3A_4 {offsets = [0, 5], sizes = [64, 1], strides = [1, 1]} : vector<64x8xf32> to vector<64x1xf32>
    %get3A_52 = arith.constant 5 : index
    %get3A_53 = arith.constant 0 : index
    %get3A_54 = arith.constant 0 : index
    %get3A_55 = vector.load %arg2[%get3A_52, %get3A_53, %get3A_54] : memref<8x64x768xf32, #tpu.memory_space<vmem>>, vector<1x64x768xf32>
    %get3A_56 = vector.shape_cast %get3A_55 : vector<1x64x768xf32> to vector<64x768xf32>
    %mul3A_57 = vector.broadcast %slice3A_51 : vector<64x1xf32> to vector<64x768xf32>
    %mul3A_58 = arith.mulf %mul3A_57, %get3A_56 : vector<64x768xf32>
    %add3A_59 = arith.addf %add3A_50, %mul3A_58 : vector<64x768xf32>
    %slice3A_60 = vector.extract_strided_slice %dot_general3A_4 {offsets = [0, 6], sizes = [64, 1], strides = [1, 1]} : vector<64x8xf32> to vector<64x1xf32>
    %get3A_61 = arith.constant 6 : index
    %get3A_62 = arith.constant 0 : index
    %get3A_63 = arith.constant 0 : index
    %get3A_64 = vector.load %arg2[%get3A_61, %get3A_62, %get3A_63] : memref<8x64x768xf32, #tpu.memory_space<vmem>>, vector<1x64x768xf32>
    %get3A_65 = vector.shape_cast %get3A_64 : vector<1x64x768xf32> to vector<64x768xf32>
    %mul3A_66 = vector.broadcast %slice3A_60 : vector<64x1xf32> to vector<64x768xf32>
    %mul3A_67 = arith.mulf %mul3A_66, %get3A_65 : vector<64x768xf32>
    %add3A_68 = arith.addf %add3A_59, %mul3A_67 : vector<64x768xf32>
    %slice3A_69 = vector.extract_strided_slice %dot_general3A_4 {offsets = [0, 7], sizes = [64, 1], strides = [1, 1]} : vector<64x8xf32> to vector<64x1xf32>
    %get3A_70 = arith.constant 7 : index
    %get3A_71 = arith.constant 0 : index
    %get3A_72 = arith.constant 0 : index
    %get3A_73 = vector.load %arg2[%get3A_70, %get3A_71, %get3A_72] : memref<8x64x768xf32, #tpu.memory_space<vmem>>, vector<1x64x768xf32>
    %get3A_74 = vector.shape_cast %get3A_73 : vector<1x64x768xf32> to vector<64x768xf32>
    %mul3A_75 = vector.broadcast %slice3A_69 : vector<64x1xf32> to vector<64x768xf32>
    %mul3A_76 = arith.mulf %mul3A_75, %get3A_74 : vector<64x768xf32>
    %add3A_77 = arith.addf %add3A_68, %mul3A_76 : vector<64x768xf32>
    %reshape3A_78 = vector.shape_cast %add3A_77 : vector<64x768xf32> to vector<16x4x768xf32>
    %swap3A = arith.constant 0 : index
    %swap3A_79 = arith.constant 0 : index
    %swap3A_80 = arith.constant 0 : index
    %swap3A_81 = vector.load %arg3[%swap3A, %swap3A_79, %swap3A_80] : memref<16x4x768xf32, #tpu.memory_space<vmem>>, vector<16x4x768xf32>
    tpu.vector_store %arg3[%swap3A, %swap3A_79, %swap3A_80], %reshape3A_78 {strides = array<i32>} : memref<16x4x768xf32, #tpu.memory_space<vmem>>, vector<16x4x768xf32>,
    return
  }
}

</mosaic_0001>

<sc_bundles>
// kernel: kernel.6.cloned.1.call-start
scs
__scs_entry_jumppad:
0x0: {  	(pc) =	sbr.rel $0x88, $3  }
0x1: {  	(tag) =	ssettag $0x0;
	lr =	simm.s32 $0x1  }
0x2: {  	[smem:$0x3F99] =	sst lr;
	_ =	strace $0xD0000000  }
0x3: {  	_ = 	snop  }
0x4: {  	_ = 	snop  }
0x5: {  	_ = 	snop  }
0x6: {  	_ = 	snop  }
0x7: {  	_ = 	snop  }
__scs_overlays_trampoline_lowered:
0x8: {  	[smem:$0x3FA8] =	sst s0  }
0x9: {  	[smem:$0x3FA9] =	sst s1  }
0xa: {  	[smem:$0x3FAA] =	sst s2  }
0xb: {  	[smem:$0x3FAB] =	sst s3  }
0xc: {  	[smem:$0x3FAC] =	sst s4  }
0xd: {  	[smem:$0x3FAD] =	sst s5  }
0xe: {  	[smem:$0x3FAE] =	sst s6  }
0xf: {  	[smem:$0x3FAF] =	sst s7  }
0x10: {  	[smem:$0x3FB0] =	sst s8  }
0x11: {  	[smem:$0x3FB1] =	sst s9;
	s0 =	simm.s32 @!p0 $0x0  }
0x12: {  	s1 =	sld [smem:$0x3F97];
	s0 =	simm.s32 @p0 $0x1  }
0x13: {  	[smem:$0x3FB2] =	sst s0;
	s0 =	simm.s32 @!p1 $0x0  }
0x14: {  	s2 =	sld [smem:$0x3F96];
	s0 =	simm.s32 @p1 $0x1  }
0x15: {  	[smem:$0x3FB3] =	sst s0;
	s0 =	simm.s32 @!p2 $0x0  }
0x16: {  	s3 =	sld [smem:$0x3FDB];
	s0 =	simm.s32 @p2 $0x1  }
0x17: {  	s4 =	simm.s32 $0x1BF5;
	[smem:$0x3FB5] =	sst s0  }
0x18: {  	s0 =	sld [smem:$0x3F98];
	_ =	swait.ge [sflag:s4], $0x0  }
0x19: {  	s7 =	sld [smem:$0x3F99]  }
0x1a: {  	s8 =	sadd.s32 $0xFFFFE003, lr  }
0x1b: {  	s9 =	sadd.s32 $0xFFFFFEF7, lr;
	s5 =	simm.s32 $0xFFFFFFFF;
	p2 =	slt.u32 s8, $0xFFFFF086  }
0x1c: {  	p1 =	slt.u32 s9, $0xF7A;
	s5 =	simm.s32 @!p2 $0x0  }
0x1d: {  	s5 =	simm.s32 @p1 $0x1;
	p0 =	seq.s32 s7, s2  }
0x1e: {  	s7 =	smul.u32 @!p0 $0xF7A, s2;
	p2 =	seq.s32 @!p0 s5, $0x0  }
0x1f: {  	s9 =	smul.u32 $0xF7A, s1;
	s8 =	simm.s32 @!p0 $0x1BF5;
	p2 =	por !p2, p0  }
0x20: {  	[sflag:s8] =	ssyncset.s32 @!p0 $0xFFFFF086;
	s6 =	sadd.s32 @!p0 s3, s7;
	s7 =	simm.s32 @!p0 $0x108  }
0x21: {  	s3 =	sadd.s32 s3, s9;
	s6 =	sadd.s32 @!p0 $0x88, s6;
	s7 =	simm.s32 @p2 $0x1082  }
0x22: {  	[simem:s7], [sflag:s8] =	dma.local @!p0 [hbm:s6], $0xF7A  }
0x23: {  	s9 =	sor.u32 $0xD0000000, s2;
	s6 =	simm.s32 $0x108;
	_ =	swait.ge @!p0 [sflag:s8], $0x0  }
0x24: {  	s3 =	sadd.s32 $0x88, s3;
	s6 =	simm.s32 @!p1 $0x1082;
	[sflag:s4] =	ssyncset.s32 $0xFFFFF086  }
0x25: {  	[simem:s6], [sflag:s4] =	dma.local [hbm:s3], $0xF7A  }
0x26: {  	[smem:$0x3F99] =	sst s1;
	(tag) =	ssettag s2;
	_ =	strace s9  }
0x27: {  	s1 =	sld [smem:$0x3FA9]  }
0x28: {  	s2 =	sld [smem:$0x3FAA]  }
0x29: {  	s4 =	sld [smem:$0x3FAC]  }
0x2a: {  	p0 =	seq.s32 s5, $0x0;
	s5 =	sld [smem:$0x3FAD]  }
0x2b: {  	s6 =	sld [smem:$0x3FAE]  }
0x2c: {  	s7 =	sld [smem:$0x3FAF]  }
0x2d: {  	s3 =	simm.s32 $0x108;
	s8 =	sld [smem:$0x3FB0]  }
0x2e: {  	s3 =	simm.s32 @!p0 $0x1082;
	s9 =	sld [smem:$0x3FB1]  }
0x2f: {  	lr =	sadd.s32 s0, s3;
	s0 =	sld [smem:$0x3FA8]  }
0x30: {  	s3 =	sld [smem:$0x3FAB]  }
0x31: {  	[smem:$0x3FB4] =	sst s10  }
0x32: {  	s10 =	sld [smem:$0x3FB2];
	_ =	sdelay $0x3  }
0x33: {  	p0 =	seq.s32 s10, $0x1;
	s10 =	sld [smem:$0x3FB4];
	_ =	sdelay $0x3  }
0x34: {  	[smem:$0x3FB4] =	sst s10  }
0x35: {  	s10 =	sld [smem:$0x3FB3];
	_ =	sdelay $0x3  }
0x36: {  	p1 =	seq.s32 s10, $0x1;
	s10 =	sld [smem:$0x3FB4];
	_ =	sdelay $0x3  }
0x37: {  	[smem:$0x3FB4] =	sst s10  }
0x38: {  	s10 =	sld [smem:$0x3FB5]  }
0x39: {  	_ = 	snop;
	(pc) =	sbr.ind lr, $3  }
0x3a: {  	_ = 	snop  }
0x3b: {  	_ = 	snop  }
0x3c: {  	p2 =	seq.s32 s10, $0x1;
	s10 =	sld [smem:$0x3FB4]  }
0x3d: {  	_ =	shalt  }
0x3e: {  	_ =	shalt  }
0x3f: {  	_ =	shalt  }
0x40: {  	_ =	shalt  }
0x41: {  	_ =	shalt  }
0x42: {  	_ =	shalt  }
0x43: {  	_ =	shalt  }
0x44: {  	_ =	shalt  }
0x45: {  	_ =	shalt  }
0x46: {  	_ =	shalt  }
0x47: {  	_ =	shalt  }
0x48: {  	_ =	shalt  }
0x49: {  	_ =	shalt  }
0x4a: {  	_ =	shalt  }
0x4b: {  	_ =	shalt  }
0x4c: {  	_ =	shalt  }
0x4d: {  	_ =	shalt  }
0x4e: {  	_ =	shalt  }
0x4f: {  	_ =	shalt  }
0x50: {  	_ =	shalt  }
0x51: {  	_ =	shalt  }
0x52: {  	_ =	shalt  }
0x53: {  	_ =	shalt  }
0x54: {  	_ =	shalt  }
0x55: {  	_ =	shalt  }
0x56: {  	_ =	shalt  }
0x57: {  	_ =	shalt  }
0x58: {  	_ =	shalt  }
0x59: {  	_ =	shalt  }
0x5a: {  	_ =	shalt  }
0x5b: {  	_ =	shalt  }
0x5c: {  	_ =	shalt  }
0x5d: {  	_ =	shalt  }
0x5e: {  	_ =	shalt  }
0x5f: {  	_ =	shalt  }
0x60: {  	_ =	shalt  }
0x61: {  	_ =	shalt  }
0x62: {  	_ =	shalt  }
0x63: {  	_ =	shalt  }
0x64: {  	_ =	shalt  }
0x65: {  	_ =	shalt  }
0x66: {  	_ =	shalt  }
0x67: {  	_ =	shalt  }
0x68: {  	_ =	shalt  }
0x69: {  	_ =	shalt  }
0x6a: {  	_ =	shalt  }
0x6b: {  	_ =	shalt  }
0x6c: {  	_ =	shalt  }
0x6d: {  	_ =	shalt  }
0x6e: {  	_ =	shalt  }
0x6f: {  	_ =	shalt  }
0x70: {  	_ =	shalt  }
0x71: {  	_ =	shalt  }
0x72: {  	_ =	shalt  }
0x73: {  	_ =	shalt  }
0x74: {  	_ =	shalt  }
0x75: {  	_ =	shalt  }
0x76: {  	_ =	shalt  }
0x77: {  	_ =	shalt  }
0x78: {  	_ =	shalt  }
0x79: {  	_ =	shalt  }
0x7a: {  	_ =	shalt  }
0x7b: {  	_ =	shalt  }
0x7c: {  	_ =	shalt  }
0x7d: {  	_ =	shalt  }
0x7e: {  	_ =	shalt  }
0x7f: {  	_ =	shalt  }
0x80: {  	_ =	shalt  }
0x81: {  	_ =	shalt  }
0x82: {  	_ =	shalt  }
0x83: {  	_ =	shalt  }
0x84: {  	_ =	shalt  }
0x85: {  	_ =	shalt  }
0x86: {  	_ =	shalt  }
0x87: {  	_ =	shalt  }
.Lfunc_end0:
.L_simem_size_0:
called_computation_lowered:
.L_overlay_start_0:
0x88: {  	s2 =	sld [smem:$0x3FD9]  }
0x89: {  	s3 =	sld [smem:$0x3FFE];
	_ =	sdelay $0x1  }
0x8a: {  	s1 =	srdreg.scid  }
0x8b: {  	s0 =	sand.u32 $0x1, s1  }
0x8c: {  	s17 =	sshll.u32 s0, $0xA;
	s2 =	sadd.s32 s3, s2  }
0x8d: {  	s2 =	sadd.s32 s2, s17  }
0x8e: {  	[smem:$0x3FC0] =	sst s2  }
0x8f: {  	_ = 	snop  }
0x90: {  	s2 =	sld [smem:$0x3FD0];
	(tm) =	ssettm $0x1  }
0x91: {  	s18 =	sld [smem:$0x3FFB];
	_ =	sdelay $0x3  }
0x92: {  	_ =	strace s18  }
0x93: {  	s3 =	sld [smem:$0x3FFC];
	_ =	sdelay $0x3  }
0x94: {  	_ =	strace s3  }
0x95: {  	s3 =	sld [smem:$0x3FFD];
	_ =	sdelay $0x3  }
0x96: {  	_ =	strace s3  }
0x97: {  	_ =	strace $0x8FFFFFFF  }
0x98: {  	s19 =	sld [smem:$0x3FDB];
	_ =	sdelay $0x1  }
0x99: {  	s4 =	simm.s32 $_scs_section_size  }
0x9a: {  	s5 =	simm.s32 $_size__tile_overlayer_lowered;
	s6 =	simm.s32 $_tile_overlayer_lowered  }
0x9b: {  	s22 =	simm.s32 $0x1BFF;
	s21 =	sshll.u32 s6, $0x1;
	s3 =	sadd.s32 s4, s19  }
0x9c: {  	s7 =	simm.s32 $0x0;
	s20 =	sshll.u32 s5, $0x1;
	s5 =	sadd.s32 s21, s3  }
0x9d: {  	[timem:s7], [sflag:s22] =	dma.local [hbm:s5], s20  }
0x9e: {  	_ =	swait.ge [sflag:s22], s20  }
0x9f: {  	s4 =	ssub.s32 $0x0, s20;
	[sflag:s22] =	ssyncset.done $0x0  }
0xa0: {  	[sflag:s22] =	ssyncadd.s32 s4;
	_ =	sdelay $0x1  }
0xa1: {  	s23 =	simm.s32 $0x1B8B  }
0xa2: {  	_ =	swait.ge [sflag:s23], $0x1  }
0xa3: {  	[sflag:s23] =	ssyncset.done $0x0  }
0xa4: {  	s25 =	simm.s32 $0x1B8E;
	s24 =	sld [smem:$0x3FFE];
	[sflag:s23] =	ssyncadd.s32 $0xFFFFFFFF  }
0xa5: {  	s26 =	simm.s32 $execute0_lowered;
	[smem:$0x3FD2] =	sst s25  }
0xa6: {  	s5 =	sshll.u32 s26, $0x1;
	_ =	strace $0x80000046;
	[dreg:$0x1] =	wrdreg $0xFFFFFFFF  }
0xa7: {  	s28 =	simm.s32 $_size_execute0_lowered;
	s3 =	sadd.s32 s3, s5;
	[dreg:$0x0] =	wrdreg $0x0  }
0xa8: {  	s5 =	sshll.u32 s28, $0x1;
	[dreg:$0x2] =	wrdreg s3  }
0xa9: {  	[dreg:$0x3] =	wrdreg s5  }
0xaa: {  	[dreg:$0x4] =	wrdreg $0xC0  }
0xab: {  	_ =	task [dreg:s7], $0x5FFFF  }
0xac: {  	[dreg:$0x1] =	wrdreg $0xFFFFFFFF  }
0xad: {  	[dreg:$0x0] =	wrdreg $0x60  }
0xae: {  	[dreg:$0x2] =	wrdreg s2  }
0xaf: {  	[dreg:$0x3] =	wrdreg s24  }
0xb0: {  	[dreg:$0x4] =	wrdreg $0x9  }
0xb1: {  	_ =	task.clear_ibuf [dreg:s7], $0x5FFFF;
	_ =	strace $0x90000046  }
0xb2: {  	s29 =	simm.s32 $0x9;
	_ =	strace $0x80000048  }
0xb3: {  	_ =	swait.ge [sflag:s29], $0x1  }
0xb4: {  	[sflag:s29] =	ssyncadd.s32 $0xFFFFFFFF  }
0xb5: {  	_ =	strace $0x90000048  }
0xb6: {  	_ =	sfence  }
0xb7: {  	s30 =	sld [smem:$0x0];
	_ =	sdelay $0x2  }
0xb8: {  	s31 =	sshll.u32 s1, $0xD;
	s1 =	sshrl.u32 s1, $0x2  }
0xb9: {  	s3 =	sand.u32 $0x4000, s31;
	s1 =	sadd.s32 s1, s30  }
0xba: {  	s0 =	sor.u32 s3, s0;
	s1 =	sshll.u32 s1, $0x11  }
0xbb: {  	s0 =	sor.u32 s1, s0  }
0xbc: {  	s0 =	sadd.s32 $0x8F2B, s0  }
0xbd: {  	[sflag:s0] =	ssyncadd.remote.s32 $0x1  }
0xbe: {  	_ =	sfence.sel $0xFFFF  }
0xbf: {  	[dreg:$0x0] =	wrdreg $0xFFFFFFFF;
	(pc) =	sbr.abs _section_cstart, $3  }
0xc0: {  	[dreg:$0x1] =	wrdreg $0xFFFFFFFF  }
0xc1: {  	_ =	task.clear_ibuf [dreg:s7], $0x2FFFF;
	_ =	strace $0x9FFFFFFF  }
0xc2: {  	(tm) =	ssettm $0x7FFFFFFF  }
0xc3: {  	_ =	shalt  }
tec
execute0_lowered:
.L_overlay_start_1:
0x0: {  	(tag) =	ssettag $0x1  }
0x1: {  	s0 =	srdreg.scid  }
0x2: {  	s3 =	sand.u32 $0x1, s0;
	s0 =	stileid.u32  }
0x3: {  	s4 =	sshll.u32 s0, $0x1;
	s6 =	ssub.s32 $0x0, s3  }
0x4: {  	p0 =	sne.s32 s4, s6  }
.Ltmp0:
0x5: {  	_ = 	snop;
	(pc) =	sbr.rel @p0 .LBB2_4-.Ltmp0, $4  }
0x6: {  	_ = 	snop  }
0x7: {  	s2 =	rddreg [dreg:$0x0]  }
0x8: {  	s5 =	rddreg [dreg:$0x1]  }
0x9: {  	s1 =	rddreg [dreg:$0x2];
	_ =	strace $0x80000047  }
0xa: {  	s6 =	ssub.s32 $0x2, s3;
	s4 =	simm.s32 $0x0  }
0xb: {  	[tilespmem:s4], [sflag:$0x1] =	stream.linear.gather [hbm4b:s2+s4], $0x400, $0x38;
	[tilespmem:$0x400] =	vst v63  }
0xc: {  	s7 =	sshrl.u32 s6, $0x1  }
0xd: {  	s6 =	ssub.s32 s6, s7  }
0xe: {  	s3 =	simm.s32 $0x1;
	s6 =	smax.u32 s6, $0x1  }
0xf: {  	_ =	swait.ge [sflag:s3], $0x400;
	p0 =	sne.s32 s6, $0x1  }
.Ltmp1:
0x10: {  	[sflag:s3] =	ssyncset.done $0x0;
	(pc) =	sbr.rel @!p0 .LBB2_3-.Ltmp1, $4  }
0x11: {  	s5 =	sadd.s32 $0x1A00, s5;
	[sflag:s3] =	ssyncadd.s32 $0xFFFFFC00  }
0x12: {  	[hbm4b:s5+s4] =	stream.linear.scatter [tilespmem:s4], [sflag:$0x1], $0x400, $0x38;
	[tilespmem:$0x400] =	vst v63  }
0x13: {  	_ =	swait.ge [sflag:s3], $0x400  }
0x14: {  	s6 =	sadd.s32 $0xFFFFFFFF, s6;
	[sflag:s3] =	ssyncset.done $0x0  }
.LBB2_2:
0x15: {  	p0 =	sne.s32 s6, $0x1;
	s6 =	sadd.s32 $0xFFFFFFFF, s6;
	[sflag:s3] =	ssyncadd.s32 $0xFFFFFC00  }
0x16: {  	[tilespmem:s4], [sflag:$0x1] =	stream.linear.gather [hbm4b:s2+s4], $0x400, $0x38;
	[tilespmem:$0x400] =	vst v63  }
0x17: {  	_ =	swait.ge [sflag:s3], $0x400  }
.Ltmp2:
0x18: {  	[sflag:s3] =	ssyncset.done $0x0;
	(pc) =	sbr.rel @p0 .LBB2_2-.Ltmp2, $4  }
0x19: {  	[sflag:s3] =	ssyncadd.s32 $0xFFFFFC00  }
0x1a: {  	[hbm4b:s5+s4] =	stream.linear.scatter [tilespmem:s4], [sflag:$0x1], $0x400, $0x38;
	[tilespmem:$0x400] =	vst v63  }
0x1b: {  	_ =	swait.ge [sflag:s3], $0x400  }
0x1c: {  	[sflag:s3] =	ssyncset.done $0x0  }
.LBB2_3:
0x1d: {  	[sflag:s3] =	ssyncadd.s32 $0xFFFFFC00  }
.LBB2_4:
0x1e: {  	_ =	sfence.sel $0x180000  }
0x1f: {  	[bflag:$0x0] =	sbarrier.arrive $0xFFFF  }
0x20: {  	p0 =	sne.s32 s0, $0x0;
	_ =	strace $0x90000047  }
0x21: {  	s0 =	sadd.s32 @!p0 $0x100000, s1;
	[bflag:$0x2] =	sbarrier.arrive $0xFFFF  }
0x22: {  	[sflag:s0] =	ssyncadd.tile.s32 @!p0 $0x1;
	_ =	shalt  }
.Lfunc_end2:
_tile_overlayer_lowered:
.L_overlay_start_2:
0x23: {  	(tag) =	ssettag $0x2  }
0x24: {  	s0 =	rddreg [dreg:$0x0];
	s2 =	stileid.u32  }
0x25: {  	s1 =	rddreg [dreg:$0x1];
	p0 =	sne.s32 s2, $0x0  }
0x26: {  	s3 =	rddreg [dreg:$0x2];
	[bflag:$0x3] =	sbarrier.arrive $0xFFFF;
	s2 =	simm.s32 @!p0 $0x1C01  }
0x27: {  	[timem:s3], [sflag:s2] =	dma.local @!p0 [hbm:s0], s1  }
0x28: {  	s0 =	simm.s32 @!p0 $0x1  }
0x29: {  	_ =	swait.ge @!p0 [sflag:s0], s1  }
0x2a: {  	s1 =	ssub.s32 @!p0 $0x0, s1;
	[sflag:s0] =	ssyncset.done @!p0 $0x0  }
0x2b: {  	[sflag:s0] =	ssyncadd.s32 @!p0 s1  }
0x2c: {  	[bflag:$0x3] =	sbarrier.arrive $0xFFFF  }
0x2d: {  	_ =	shalt  }

</sc_bundles>
